<compile_context>
chip_gen: v7x
topology: tpu7x:2x2x1
jax: 0.10.2.dev20260603
libtpu: 0.0.44.dev20260713+nightly
codegen_flags: <defaults>
</compile_context>

<pallas_src>
import functools

import jax
import jax.numpy as jnp
from jax import lax
from jax.experimental import pallas as pl
from jax.experimental.pallas import tpu as pltpu
from jax.experimental.pallas import tpu_sc as plsc

_NUM_CORES = 2
_NUM_SUBCORES = 16
_NUM_WORKERS = _NUM_CORES * _NUM_SUBCORES

_CHUNK = 8
_NBUF = 8
_DEPTH = _NBUF // 2


def _emb_lookup(src, tgt, seg, table):
    b, s = src.shape
    _, hidden = table.shape
    n_per_w = (b * s) // _NUM_WORKERS
    steps = n_per_w // _CHUNK
    w_per_row = s // n_per_w
    assert steps % _NBUF == 0 and steps >= 2 * _NBUF
    mesh = plsc.VectorSubcoreMesh(core_axis_name="c", subcore_axis_name="s")

    @functools.partial(
        pl.kernel,
        out_type=(
            jax.ShapeDtypeStruct((b, s, hidden), jnp.float32),
            jax.ShapeDtypeStruct(tgt.shape, tgt.dtype),
            jax.ShapeDtypeStruct(seg.shape, seg.dtype),
        ),
        mesh=mesh,
        scratch_types=[
            pltpu.VMEM((n_per_w,), jnp.int32),
            pltpu.VMEM((n_per_w,), jnp.int32),
            pltpu.VMEM((n_per_w,), jnp.int32),
            pltpu.VMEM((_NBUF, _CHUNK, hidden), jnp.float32),
            pltpu.SemaphoreType.DMA,
        ]
        + [pltpu.SemaphoreType.DMA] * (2 * _NBUF),
    )
    def emb(idx_hbm, tgt_hbm, seg_hbm, table_hbm, out_hbm, tgt_out, seg_out,
            idx_v, tgt_v, seg_v, rows, xsem, *sems):
        gsem = sems[:_NBUF]
        psem = sems[_NBUF:]
        wid = lax.axis_index("s") * _NUM_CORES + lax.axis_index("c")
        row = wid // w_per_row
        col = (wid % w_per_row) * n_per_w

        pltpu.sync_copy(idx_hbm.at[row, pl.ds(col, n_per_w)], idx_v)
        pltpu.async_copy(tgt_hbm.at[row, pl.ds(col, n_per_w)], tgt_v, xsem)
        pltpu.async_copy(seg_hbm.at[row, pl.ds(col, n_per_w)], seg_v, xsem)

        def start_gather(st, k):
            pltpu.async_copy(
                table_hbm.at[idx_v.at[pl.ds(st * _CHUNK, _CHUNK)]],
                rows.at[k],
                gsem[k],
            )

        def start_put(st, k):
            pltpu.async_copy(
                rows.at[k], out_hbm.at[row, pl.ds(col + st * _CHUNK, _CHUNK)],
                psem[k],
            )

        def wait_gather(k):
            pltpu.make_async_copy(
                table_hbm.at[pl.ds(0, _CHUNK)], rows.at[k], gsem[k]
            ).wait()

        def wait_put(k):
            pltpu.make_async_copy(
                rows.at[k], out_hbm.at[0, pl.ds(0, _CHUNK)], psem[k]
            ).wait()

        for t in range(_DEPTH):
            start_gather(t, t)
        for st in range(_DEPTH):
            wait_gather(st)
            start_put(st, st)
            start_gather(st + _DEPTH, st + _DEPTH)

        pltpu.make_async_copy(tgt_hbm.at[0, pl.ds(0, n_per_w)], tgt_v, xsem).wait()
        pltpu.make_async_copy(seg_hbm.at[0, pl.ds(0, n_per_w)], seg_v, xsem).wait()
        pltpu.async_copy(tgt_v, tgt_out.at[row, pl.ds(col, n_per_w)], xsem)
        pltpu.async_copy(seg_v, seg_out.at[row, pl.ds(col, n_per_w)], xsem)

        def group(gr, carry):
            for k in range(_NBUF):
                st = _NBUF * gr + k + _DEPTH
                wait_gather((k + _DEPTH) % _NBUF)
                start_put(st, (k + _DEPTH) % _NBUF)
                wait_put(k % _NBUF)
                start_gather(st + _DEPTH, k % _NBUF)
            return carry

        lax.fori_loop(0, (steps - 2 * _DEPTH) // _NBUF, group, 0)

        for st in range(steps - _DEPTH, steps):
            wait_gather(st % _NBUF)
            start_put(st, st % _NBUF)
        for k in range(_NBUF):
            wait_put(k)
        pltpu.make_async_copy(tgt_v, tgt_out.at[0, pl.ds(0, n_per_w)], xsem).wait()
        pltpu.make_async_copy(seg_v, seg_out.at[0, pl.ds(0, n_per_w)], xsem).wait()

    return emb(src, tgt, seg, table)


def kernel(src, tgt, seg, word_table):
    return _emb_lookup(src.astype(jnp.int32), tgt, seg, word_table)

# --- scband reference (transcript-rebuilt; emitter-appended) ---
"""Pipeline reference for scband-embedding-pipe-47150150976091 (READ-ONLY COPY).

The authoritative reference and input builder live on the scoring server;
editing this copy changes nothing except your own understanding.
"""

import jax, jax.numpy as jnp
import numpy as np

VOCAB = 100000
HIDDEN = 1024
BATCH = 4
SEQ = 4096

def setup_inputs(seed: int = 0) -> dict:
    key = jax.random.key(seed)
    k_src, k_tgt, k_seg, k_tab = jax.random.split(key, 4)
    src = jax.random.randint(k_src, (BATCH, SEQ), 0, VOCAB, dtype=jnp.int64) if jax.config.jax_enable_x64 else jax.random.randint(k_src, (BATCH, SEQ), 0, VOCAB, dtype=jnp.int32)
    tgt = jax.random.randint(k_tgt, (BATCH, SEQ), 0, VOCAB, dtype=src.dtype)
    seg = jax.random.randint(k_seg, (BATCH, SEQ), 0, 2, dtype=src.dtype)
    word_table = jax.random.normal(k_tab, (VOCAB, HIDDEN), dtype=jnp.float32) * 0.02
    return {"src": src, "tgt": tgt, "seg": seg, "word_table": word_table}

def reference(src, tgt, seg, word_table):
    # EmbeddingPipe.forward: emb = self.word_embeddings(src, seg); hidden = emb; return (hidden, tgt, seg)
    # word_embeddings is a token-id -> vector lookup (gather over the embedding table).
    hidden = jnp.take(word_table, src, axis=0)  # [B, S, H]
    return (hidden, tgt, seg)

if __name__ == "__main__":
    import jax
    _d = setup_inputs()
    print(jax.jit(kernel)(*tuple(_d.values())))

</pallas_src>

<mosaic_0001>
#map = affine_map<(d0, d1) -> (0, 0)>
#map1 = affine_map<(d0, d1) -> (0, 0, 0)>
module attributes {stable_mosaic.version = 14 : i64} {
  func.func @emb(%arg0: i32, %arg1: i32, %arg2: memref<4x4096xi32, #tpu.memory_space<hbm>>, %arg3: memref<4x4096xi32, #tpu.memory_space<hbm>>, %arg4: memref<4x4096xi32, #tpu.memory_space<hbm>>, %arg5: memref<100000x1024xf32, #tpu.memory_space<hbm>>, %arg6: memref<4x4096x1024xf32, #tpu.memory_space<hbm>>, %arg7: memref<4x4096xi32, #tpu.memory_space<hbm>>, %arg8: memref<4x4096xi32, #tpu.memory_space<hbm>>, %arg9: memref<512xi32, #tpu.memory_space<vmem>>, %arg10: memref<512xi32, #tpu.memory_space<vmem>>, %arg11: memref<512xi32, #tpu.memory_space<vmem>>, %arg12: memref<8x8x1024xf32, #tpu.memory_space<vmem>>, %arg13: memref<!tpu.dma_semaphore, #tpu.memory_space<semaphore_mem>>, %arg14: memref<!tpu.dma_semaphore, #tpu.memory_space<semaphore_mem>>, %arg15: memref<!tpu.dma_semaphore, #tpu.memory_space<semaphore_mem>>, %arg16: memref<!tpu.dma_semaphore, #tpu.memory_space<semaphore_mem>>, %arg17: memref<!tpu.dma_semaphore, #tpu.memory_space<semaphore_mem>>, %arg18: memref<!tpu.dma_semaphore, #tpu.memory_space<semaphore_mem>>, %arg19: memref<!tpu.dma_semaphore, #tpu.memory_space<semaphore_mem>>, %arg20: memref<!tpu.dma_semaphore, #tpu.memory_space<semaphore_mem>>, %arg21: memref<!tpu.dma_semaphore, #tpu.memory_space<semaphore_mem>>, %arg22: memref<!tpu.dma_semaphore, #tpu.memory_space<semaphore_mem>>, %arg23: memref<!tpu.dma_semaphore, #tpu.memory_space<semaphore_mem>>, %arg24: memref<!tpu.dma_semaphore, #tpu.memory_space<semaphore_mem>>, %arg25: memref<!tpu.dma_semaphore, #tpu.memory_space<semaphore_mem>>, %arg26: memref<!tpu.dma_semaphore, #tpu.memory_space<semaphore_mem>>, %arg27: memref<!tpu.dma_semaphore, #tpu.memory_space<semaphore_mem>>, %arg28: memref<!tpu.dma_semaphore, #tpu.memory_space<semaphore_mem>>, %arg29: memref<!tpu.dma_semaphore, #tpu.memory_space<semaphore_mem>>) attributes {dimension_semantics = [#tpu.dimension_semantics<core_parallel>, #tpu.dimension_semantics<subcore_parallel>], iteration_bounds = array<i64: 2, 16>, scalar_prefetch = 0 : i64, scratch_operands = 21 : i64, tpu.core_type = #tpu.core_type<sc_vector_subcore>, window_params = [{transform_indices = #map}, {transform_indices = #map}, {transform_indices = #map}, {transform_indices = #map}, {transform_indices = #map1}, {transform_indices = #map}, {transform_indices = #map}]} {
    %mul3A = arith.constant 2 : i32
    %mul3A_0 = arith.muli %arg1, %mul3A : i32
    %add3A = arith.addi %mul3A_0, %arg0 : i32
    %jit3A = arith.constant 8 : i32
    %div3A = arith.divsi %add3A, %jit3A : i32
    %sign3A = arith.constant 0 : i32
    %sign3A_1 = arith.cmpi sgt, %add3A, %sign3A : i32
    %sign3A_2 = arith.extui %sign3A_1 : i1 to i32
    %sign3A_3 = arith.constant 0 : i32
    %sign3A_4 = arith.cmpi slt, %add3A, %sign3A_3 : i32
    %sign3A_5 = arith.extui %sign3A_4 : i1 to i32
    %sign3A_6 = arith.subi %sign3A_2, %sign3A_5 : i32
    %sign3A_7 = arith.constant 0 : i32
    %sign3A_8 = arith.cmpi sgt, %jit3A, %sign3A_7 : i32
    %sign3A_9 = arith.extui %sign3A_8 : i1 to i32
    %sign3A_10 = arith.constant 0 : i32
    %sign3A_11 = arith.cmpi slt, %jit3A, %sign3A_10 : i32
    %sign3A_12 = arith.extui %sign3A_11 : i1 to i32
    %sign3A_13 = arith.subi %sign3A_9, %sign3A_12 : i32
    %ne3A = arith.cmpi ne, %sign3A_6, %sign3A_13 : i32
    %rem3A = arith.remsi %add3A, %jit3A : i32
    %ne3A_14 = arith.constant 0 : i32
    %ne3A_15 = arith.cmpi ne, %rem3A, %ne3A_14 : i32
    %and3A = arith.andi %ne3A, %ne3A_15 : i1
    %sub3A = arith.constant 1 : i32
    %sub3A_16 = arith.subi %div3A, %sub3A : i32
    %select_n3A = arith.select %and3A, %sub3A_16, %div3A : i32
    %jit3A_17 = arith.constant 8 : i32
    %eq3A = arith.constant 0 : i32
    %eq3A_18 = arith.cmpi eq, %jit3A_17, %eq3A : i32
    %jit3A_19 = arith.constant 1 : i32
    %select_n3A_20 = arith.select %eq3A_18, %jit3A_19, %jit3A_17 : i32
    %rem3A_21 = arith.remsi %add3A, %select_n3A_20 : i32
    %ne3A_22 = arith.constant 0 : i32
    %ne3A_23 = arith.cmpi ne, %rem3A_21, %ne3A_22 : i32
    %lt3A = arith.constant 0 : i32
    %lt3A_24 = arith.cmpi slt, %rem3A_21, %lt3A : i32
    %lt3A_25 = arith.constant 0 : i32
    %lt3A_26 = arith.cmpi slt, %select_n3A_20, %lt3A_25 : i32
    %ne3A_27 = arith.xori %lt3A_24, %lt3A_26 : i1
    %and3A_28 = arith.andi %ne3A_27, %ne3A_23 : i1
    %add3A_29 = arith.addi %rem3A_21, %select_n3A_20 : i32
    %select_n3A_30 = arith.select %and3A_28, %add3A_29, %rem3A_21 : i32
    %mul3A_31 = arith.constant 512 : i32
    %mul3A_32 = arith.muli %select_n3A_30, %mul3A_31 : i32
    "tpu.region"() ({
      %run_scoped3A = tpu.sem_alloc : memref<!tpu.dma_semaphore, #tpu.memory_space<semaphore_mem>>
      %dma_start3A_560 = tpu.memref_slice %arg2[%select_n3A, %mul3A_32] : memref<4x4096xi32, #tpu.memory_space<hbm>> -> memref<1x512xi32, #tpu.memory_space<hbm>>
      %dma_start3A_561 = tpu.memref_squeeze %dma_start3A_560 : memref<1x512xi32, #tpu.memory_space<hbm>> -> memref<512xi32, #tpu.memory_space<hbm>>
      %dma_start3A_562 = tpu.memref_slice %arg2[%select_n3A, %mul3A_32] : memref<4x4096xi32, #tpu.memory_space<hbm>> -> memref<1x512xi32, #tpu.memory_space<hbm>>
      %dma_start3A_563 = tpu.memref_squeeze %dma_start3A_562 : memref<1x512xi32, #tpu.memory_space<hbm>> -> memref<512xi32, #tpu.memory_space<hbm>>
      tpu.enqueue_dma source(%dma_start3A_563 : memref<512xi32, #tpu.memory_space<hbm>>) target(%arg9 : memref<512xi32, #tpu.memory_space<vmem>>) target_semaphore(%run_scoped3A : memref<!tpu.dma_semaphore, #tpu.memory_space<semaphore_mem>>)
      %dma_wait3A_564 = tpu.memref_slice %arg2[%select_n3A, %mul3A_32] : memref<4x4096xi32, #tpu.memory_space<hbm>> -> memref<1x512xi32, #tpu.memory_space<hbm>>
      %dma_wait3A_565 = tpu.memref_squeeze %dma_wait3A_564 : memref<1x512xi32, #tpu.memory_space<hbm>> -> memref<512xi32, #tpu.memory_space<hbm>>
      %dma_wait3A_566 = tpu.memref_slice %arg2[%select_n3A, %mul3A_32] : memref<4x4096xi32, #tpu.memory_space<hbm>> -> memref<1x512xi32, #tpu.memory_space<hbm>>
      %dma_wait3A_567 = tpu.memref_squeeze %dma_wait3A_566 : memref<1x512xi32, #tpu.memory_space<hbm>> -> memref<512xi32, #tpu.memory_space<hbm>>
      tpu.wait_dma2 semaphore(%run_scoped3A : memref<!tpu.dma_semaphore, #tpu.memory_space<semaphore_mem>>) src(%dma_wait3A_567 : memref<512xi32, #tpu.memory_space<hbm>>) dst(%arg9 : memref<512xi32, #tpu.memory_space<vmem>>)
      tpu.yield
    }) : () -> ()
    %dma_start3A = tpu.memref_slice %arg3[%select_n3A, %mul3A_32] : memref<4x4096xi32, #tpu.memory_space<hbm>> -> memref<1x512xi32, #tpu.memory_space<hbm>>
    %dma_start3A_33 = tpu.memref_squeeze %dma_start3A : memref<1x512xi32, #tpu.memory_space<hbm>> -> memref<512xi32, #tpu.memory_space<hbm>>
    %dma_start3A_34 = tpu.memref_slice %arg3[%select_n3A, %mul3A_32] : memref<4x4096xi32, #tpu.memory_space<hbm>> -> memref<1x512xi32, #tpu.memory_space<hbm>>
    %dma_start3A_35 = tpu.memref_squeeze %dma_start3A_34 : memref<1x512xi32, #tpu.memory_space<hbm>> -> memref<512xi32, #tpu.memory_space<hbm>>
    tpu.enqueue_dma source(%dma_start3A_35 : memref<512xi32, #tpu.memory_space<hbm>>) target(%arg10 : memref<512xi32, #tpu.memory_space<vmem>>) target_semaphore(%arg13 : memref<!tpu.dma_semaphore, #tpu.memory_space<semaphore_mem>>)
    %dma_start3A_36 = tpu.memref_slice %arg4[%select_n3A, %mul3A_32] : memref<4x4096xi32, #tpu.memory_space<hbm>> -> memref<1x512xi32, #tpu.memory_space<hbm>>
    %dma_start3A_37 = tpu.memref_squeeze %dma_start3A_36 : memref<1x512xi32, #tpu.memory_space<hbm>> -> memref<512xi32, #tpu.memory_space<hbm>>
    %dma_start3A_38 = tpu.memref_slice %arg4[%select_n3A, %mul3A_32] : memref<4x4096xi32, #tpu.memory_space<hbm>> -> memref<1x512xi32, #tpu.memory_space<hbm>>
    %dma_start3A_39 = tpu.memref_squeeze %dma_start3A_38 : memref<1x512xi32, #tpu.memory_space<hbm>> -> memref<512xi32, #tpu.memory_space<hbm>>
    tpu.enqueue_dma source(%dma_start3A_39 : memref<512xi32, #tpu.memory_space<hbm>>) target(%arg11 : memref<512xi32, #tpu.memory_space<vmem>>) target_semaphore(%arg13 : memref<!tpu.dma_semaphore, #tpu.memory_space<semaphore_mem>>)
    %dma_start3A_40 = arith.constant 0 : i32
    %dma_start3A_41 = arith.constant 0 : i32
    %dma_start3A_42 = arith.constant 0 : i32
    %dma_start3A_43 = tpu.memref_slice %arg12[%dma_start3A_40, %dma_start3A_41, %dma_start3A_42] : memref<8x8x1024xf32, #tpu.memory_space<vmem>> -> memref<1x8x1024xf32, #tpu.memory_space<vmem>>
    %dma_start3A_44 = tpu.memref_squeeze %dma_start3A_43 : memref<1x8x1024xf32, #tpu.memory_space<vmem>> -> memref<8x1024xf32, #tpu.memory_space<vmem>>
    %dma_start3A_45 = arith.constant 0 : i32
    %dma_start3A_46 = tpu.memref_slice %arg9[%dma_start3A_45] : memref<512xi32, #tpu.memory_space<vmem>> -> memref<8xi32, #tpu.memory_space<vmem>>
    %dma_start3A_47 = arith.constant 0 : i32
    %dma_start3A_48 = arith.constant 0 : i32
    %dma_start3A_49 = tpu.memref_slice %arg5[%dma_start3A_47, %dma_start3A_48] : memref<100000x1024xf32, #tpu.memory_space<hbm>> -> memref<100000x1024xf32, #tpu.memory_space<hbm>>
    tpu.enqueue_indirect_dma source(%dma_start3A_49 : memref<100000x1024xf32, #tpu.memory_space<hbm>>) target(%dma_start3A_44 : memref<8x1024xf32, #tpu.memory_space<vmem>>) offsets(%dma_start3A_46 : memref<8xi32, #tpu.memory_space<vmem>>) semaphore(%arg14 : memref<!tpu.dma_semaphore, #tpu.memory_space<semaphore_mem>>)
    %dma_start3A_50 = arith.constant 1 : i32
    %dma_start3A_51 = arith.constant 0 : i32
    %dma_start3A_52 = arith.constant 0 : i32
    %dma_start3A_53 = tpu.memref_slice %arg12[%dma_start3A_50, %dma_start3A_51, %dma_start3A_52] : memref<8x8x1024xf32, #tpu.memory_space<vmem>> -> memref<1x8x1024xf32, #tpu.memory_space<vmem>>
    %dma_start3A_54 = tpu.memref_squeeze %dma_start3A_53 : memref<1x8x1024xf32, #tpu.memory_space<vmem>> -> memref<8x1024xf32, #tpu.memory_space<vmem>>
    %dma_start3A_55 = arith.constant 8 : i32
    %dma_start3A_56 = tpu.memref_slice %arg9[%dma_start3A_55] : memref<512xi32, #tpu.memory_space<vmem>> -> memref<8xi32, #tpu.memory_space<vmem>>
    %dma_start3A_57 = arith.constant 0 : i32
    %dma_start3A_58 = arith.constant 0 : i32
    %dma_start3A_59 = tpu.memref_slice %arg5[%dma_start3A_57, %dma_start3A_58] : memref<100000x1024xf32, #tpu.memory_space<hbm>> -> memref<100000x1024xf32, #tpu.memory_space<hbm>>
    tpu.enqueue_indirect_dma source(%dma_start3A_59 : memref<100000x1024xf32, #tpu.memory_space<hbm>>) target(%dma_start3A_54 : memref<8x1024xf32, #tpu.memory_space<vmem>>) offsets(%dma_start3A_56 : memref<8xi32, #tpu.memory_space<vmem>>) semaphore(%arg15 : memref<!tpu.dma_semaphore, #tpu.memory_space<semaphore_mem>>)
    %dma_start3A_60 = arith.constant 2 : i32
    %dma_start3A_61 = arith.constant 0 : i32
    %dma_start3A_62 = arith.constant 0 : i32
    %dma_start3A_63 = tpu.memref_slice %arg12[%dma_start3A_60, %dma_start3A_61, %dma_start3A_62] : memref<8x8x1024xf32, #tpu.memory_space<vmem>> -> memref<1x8x1024xf32, #tpu.memory_space<vmem>>
    %dma_start3A_64 = tpu.memref_squeeze %dma_start3A_63 : memref<1x8x1024xf32, #tpu.memory_space<vmem>> -> memref<8x1024xf32, #tpu.memory_space<vmem>>
    %dma_start3A_65 = arith.constant 16 : i32
    %dma_start3A_66 = tpu.memref_slice %arg9[%dma_start3A_65] : memref<512xi32, #tpu.memory_space<vmem>> -> memref<8xi32, #tpu.memory_space<vmem>>
    %dma_start3A_67 = arith.constant 0 : i32
    %dma_start3A_68 = arith.constant 0 : i32
    %dma_start3A_69 = tpu.memref_slice %arg5[%dma_start3A_67, %dma_start3A_68] : memref<100000x1024xf32, #tpu.memory_space<hbm>> -> memref<100000x1024xf32, #tpu.memory_space<hbm>>
    tpu.enqueue_indirect_dma source(%dma_start3A_69 : memref<100000x1024xf32, #tpu.memory_space<hbm>>) target(%dma_start3A_64 : memref<8x1024xf32, #tpu.memory_space<vmem>>) offsets(%dma_start3A_66 : memref<8xi32, #tpu.memory_space<vmem>>) semaphore(%arg16 : memref<!tpu.dma_semaphore, #tpu.memory_space<semaphore_mem>>)
    %dma_start3A_70 = arith.constant 3 : i32
    %dma_start3A_71 = arith.constant 0 : i32
    %dma_start3A_72 = arith.constant 0 : i32
    %dma_start3A_73 = tpu.memref_slice %arg12[%dma_start3A_70, %dma_start3A_71, %dma_start3A_72] : memref<8x8x1024xf32, #tpu.memory_space<vmem>> -> memref<1x8x1024xf32, #tpu.memory_space<vmem>>
    %dma_start3A_74 = tpu.memref_squeeze %dma_start3A_73 : memref<1x8x1024xf32, #tpu.memory_space<vmem>> -> memref<8x1024xf32, #tpu.memory_space<vmem>>
    %dma_start3A_75 = arith.constant 24 : i32
    %dma_start3A_76 = tpu.memref_slice %arg9[%dma_start3A_75] : memref<512xi32, #tpu.memory_space<vmem>> -> memref<8xi32, #tpu.memory_space<vmem>>
    %dma_start3A_77 = arith.constant 0 : i32
    %dma_start3A_78 = arith.constant 0 : i32
    %dma_start3A_79 = tpu.memref_slice %arg5[%dma_start3A_77, %dma_start3A_78] : memref<100000x1024xf32, #tpu.memory_space<hbm>> -> memref<100000x1024xf32, #tpu.memory_space<hbm>>
    tpu.enqueue_indirect_dma source(%dma_start3A_79 : memref<100000x1024xf32, #tpu.memory_space<hbm>>) target(%dma_start3A_74 : memref<8x1024xf32, #tpu.memory_space<vmem>>) offsets(%dma_start3A_76 : memref<8xi32, #tpu.memory_space<vmem>>) semaphore(%arg17 : memref<!tpu.dma_semaphore, #tpu.memory_space<semaphore_mem>>)
    %dma_wait3A = arith.constant 0 : i32
    %dma_wait3A_80 = arith.constant 0 : i32
    %dma_wait3A_81 = arith.constant 0 : i32
    %dma_wait3A_82 = tpu.memref_slice %arg12[%dma_wait3A, %dma_wait3A_80, %dma_wait3A_81] : memref<8x8x1024xf32, #tpu.memory_space<vmem>> -> memref<1x8x1024xf32, #tpu.memory_space<vmem>>
    %dma_wait3A_83 = tpu.memref_squeeze %dma_wait3A_82 : memref<1x8x1024xf32, #tpu.memory_space<vmem>> -> memref<8x1024xf32, #tpu.memory_space<vmem>>
    %dma_wait3A_84 = arith.constant 0 : i32
    %dma_wait3A_85 = arith.constant 0 : i32
    %dma_wait3A_86 = tpu.memref_slice %arg5[%dma_wait3A_84, %dma_wait3A_85] : memref<100000x1024xf32, #tpu.memory_space<hbm>> -> memref<8x1024xf32, #tpu.memory_space<hbm>>
    %dma_wait3A_87 = arith.constant 0 : i32
    %dma_wait3A_88 = arith.constant 0 : i32
    %dma_wait3A_89 = tpu.memref_slice %arg12[%dma_wait3A, %dma_wait3A_87, %dma_wait3A_88] : memref<8x8x1024xf32, #tpu.memory_space<vmem>> -> memref<1x8x1024xf32, #tpu.memory_space<vmem>>
    %dma_wait3A_90 = tpu.memref_squeeze %dma_wait3A_89 : memref<1x8x1024xf32, #tpu.memory_space<vmem>> -> memref<8x1024xf32, #tpu.memory_space<vmem>>
    %dma_wait3A_91 = arith.constant 0 : i32
    %dma_wait3A_92 = arith.constant 0 : i32
    %dma_wait3A_93 = tpu.memref_slice %arg5[%dma_wait3A_91, %dma_wait3A_92] : memref<100000x1024xf32, #tpu.memory_space<hbm>> -> memref<8x1024xf32, #tpu.memory_space<hbm>>
    tpu.wait_dma2 semaphore(%arg14 : memref<!tpu.dma_semaphore, #tpu.memory_space<semaphore_mem>>) src(%dma_wait3A_93 : memref<8x1024xf32, #tpu.memory_space<hbm>>) dst(%dma_wait3A_90 : memref<8x1024xf32, #tpu.memory_space<vmem>>)
    %add3A_94 = arith.constant 0 : i32
    %add3A_95 = arith.addi %mul3A_32, %add3A_94 : i32
    %dma_start3A_96 = arith.constant 0 : i32
    %dma_start3A_97 = arith.constant 0 : i32
    %dma_start3A_98 = arith.constant 0 : i32
    %dma_start3A_99 = tpu.memref_slice %arg12[%dma_start3A_96, %dma_start3A_97, %dma_start3A_98] : memref<8x8x1024xf32, #tpu.memory_space<vmem>> -> memref<1x8x1024xf32, #tpu.memory_space<vmem>>
    %dma_start3A_100 = tpu.memref_squeeze %dma_start3A_99 : memref<1x8x1024xf32, #tpu.memory_space<vmem>> -> memref<8x1024xf32, #tpu.memory_space<vmem>>
    %dma_start3A_101 = arith.constant 0 : i32
    %dma_start3A_102 = tpu.memref_slice %arg6[%select_n3A, %add3A_95, %dma_start3A_101] : memref<4x4096x1024xf32, #tpu.memory_space<hbm>> -> memref<1x8x1024xf32, #tpu.memory_space<hbm>>
    %dma_start3A_103 = tpu.memref_squeeze %dma_start3A_102 : memref<1x8x1024xf32, #tpu.memory_space<hbm>> -> memref<8x1024xf32, #tpu.memory_space<hbm>>
    %dma_start3A_104 = arith.constant 0 : i32
    %dma_start3A_105 = tpu.memref_slice %arg6[%select_n3A, %add3A_95, %dma_start3A_104] : memref<4x4096x1024xf32, #tpu.memory_space<hbm>> -> memref<1x8x1024xf32, #tpu.memory_space<hbm>>
    %dma_start3A_106 = tpu.memref_squeeze %dma_start3A_105 : memref<1x8x1024xf32, #tpu.memory_space<hbm>> -> memref<8x1024xf32, #tpu.memory_space<hbm>>
    %dma_start3A_107 = arith.constant 0 : i32
    %dma_start3A_108 = arith.constant 0 : i32
    %dma_start3A_109 = tpu.memref_slice %arg12[%dma_start3A_96, %dma_start3A_107, %dma_start3A_108] : memref<8x8x1024xf32, #tpu.memory_space<vmem>> -> memref<1x8x1024xf32, #tpu.memory_space<vmem>>
    %dma_start3A_110 = tpu.memref_squeeze %dma_start3A_109 : memref<1x8x1024xf32, #tpu.memory_space<vmem>> -> memref<8x1024xf32, #tpu.memory_space<vmem>>
    tpu.enqueue_dma source(%dma_start3A_110 : memref<8x1024xf32, #tpu.memory_space<vmem>>) target(%dma_start3A_106 : memref<8x1024xf32, #tpu.memory_space<hbm>>) target_semaphore(%arg22 : memref<!tpu.dma_semaphore, #tpu.memory_space<semaphore_mem>>)
    %dma_start3A_111 = arith.constant 4 : i32
    %dma_start3A_112 = arith.constant 0 : i32
    %dma_start3A_113 = arith.constant 0 : i32
    %dma_start3A_114 = tpu.memref_slice %arg12[%dma_start3A_111, %dma_start3A_112, %dma_start3A_113] : memref<8x8x1024xf32, #tpu.memory_space<vmem>> -> memref<1x8x1024xf32, #tpu.memory_space<vmem>>
    %dma_start3A_115 = tpu.memref_squeeze %dma_start3A_114 : memref<1x8x1024xf32, #tpu.memory_space<vmem>> -> memref<8x1024xf32, #tpu.memory_space<vmem>>
    %dma_start3A_116 = arith.constant 32 : i32
    %dma_start3A_117 = tpu.memref_slice %arg9[%dma_start3A_116] : memref<512xi32, #tpu.memory_space<vmem>> -> memref<8xi32, #tpu.memory_space<vmem>>
    %dma_start3A_118 = arith.constant 0 : i32
    %dma_start3A_119 = arith.constant 0 : i32
    %dma_start3A_120 = tpu.memref_slice %arg5[%dma_start3A_118, %dma_start3A_119] : memref<100000x1024xf32, #tpu.memory_space<hbm>> -> memref<100000x1024xf32, #tpu.memory_space<hbm>>
    tpu.enqueue_indirect_dma source(%dma_start3A_120 : memref<100000x1024xf32, #tpu.memory_space<hbm>>) target(%dma_start3A_115 : memref<8x1024xf32, #tpu.memory_space<vmem>>) offsets(%dma_start3A_117 : memref<8xi32, #tpu.memory_space<vmem>>) semaphore(%arg18 : memref<!tpu.dma_semaphore, #tpu.memory_space<semaphore_mem>>)
    %dma_wait3A_121 = arith.constant 1 : i32
    %dma_wait3A_122 = arith.constant 0 : i32
    %dma_wait3A_123 = arith.constant 0 : i32
    %dma_wait3A_124 = tpu.memref_slice %arg12[%dma_wait3A_121, %dma_wait3A_122, %dma_wait3A_123] : memref<8x8x1024xf32, #tpu.memory_space<vmem>> -> memref<1x8x1024xf32, #tpu.memory_space<vmem>>
    %dma_wait3A_125 = tpu.memref_squeeze %dma_wait3A_124 : memref<1x8x1024xf32, #tpu.memory_space<vmem>> -> memref<8x1024xf32, #tpu.memory_space<vmem>>
    %dma_wait3A_126 = arith.constant 0 : i32
    %dma_wait3A_127 = arith.constant 0 : i32
    %dma_wait3A_128 = tpu.memref_slice %arg5[%dma_wait3A_126, %dma_wait3A_127] : memref<100000x1024xf32, #tpu.memory_space<hbm>> -> memref<8x1024xf32, #tpu.memory_space<hbm>>
    %dma_wait3A_129 = arith.constant 0 : i32
    %dma_wait3A_130 = arith.constant 0 : i32
    %dma_wait3A_131 = tpu.memref_slice %arg12[%dma_wait3A_121, %dma_wait3A_129, %dma_wait3A_130] : memref<8x8x1024xf32, #tpu.memory_space<vmem>> -> memref<1x8x1024xf32, #tpu.memory_space<vmem>>
    %dma_wait3A_132 = tpu.memref_squeeze %dma_wait3A_131 : memref<1x8x1024xf32, #tpu.memory_space<vmem>> -> memref<8x1024xf32, #tpu.memory_space<vmem>>
    %dma_wait3A_133 = arith.constant 0 : i32
    %dma_wait3A_134 = arith.constant 0 : i32
    %dma_wait3A_135 = tpu.memref_slice %arg5[%dma_wait3A_133, %dma_wait3A_134] : memref<100000x1024xf32, #tpu.memory_space<hbm>> -> memref<8x1024xf32, #tpu.memory_space<hbm>>
    tpu.wait_dma2 semaphore(%arg15 : memref<!tpu.dma_semaphore, #tpu.memory_space<semaphore_mem>>) src(%dma_wait3A_135 : memref<8x1024xf32, #tpu.memory_space<hbm>>) dst(%dma_wait3A_132 : memref<8x1024xf32, #tpu.memory_space<vmem>>)
    %add3A_136 = arith.constant 8 : i32
    %add3A_137 = arith.addi %mul3A_32, %add3A_136 : i32
    %dma_start3A_138 = arith.constant 1 : i32
    %dma_start3A_139 = arith.constant 0 : i32
    %dma_start3A_140 = arith.constant 0 : i32
    %dma_start3A_141 = tpu.memref_slice %arg12[%dma_start3A_138, %dma_start3A_139, %dma_start3A_140] : memref<8x8x1024xf32, #tpu.memory_space<vmem>> -> memref<1x8x1024xf32, #tpu.memory_space<vmem>>
    %dma_start3A_142 = tpu.memref_squeeze %dma_start3A_141 : memref<1x8x1024xf32, #tpu.memory_space<vmem>> -> memref<8x1024xf32, #tpu.memory_space<vmem>>
    %dma_start3A_143 = arith.constant 0 : i32
    %dma_start3A_144 = tpu.memref_slice %arg6[%select_n3A, %add3A_137, %dma_start3A_143] : memref<4x4096x1024xf32, #tpu.memory_space<hbm>> -> memref<1x8x1024xf32, #tpu.memory_space<hbm>>
    %dma_start3A_145 = tpu.memref_squeeze %dma_start3A_144 : memref<1x8x1024xf32, #tpu.memory_space<hbm>> -> memref<8x1024xf32, #tpu.memory_space<hbm>>
    %dma_start3A_146 = arith.constant 0 : i32
    %dma_start3A_147 = tpu.memref_slice %arg6[%select_n3A, %add3A_137, %dma_start3A_146] : memref<4x4096x1024xf32, #tpu.memory_space<hbm>> -> memref<1x8x1024xf32, #tpu.memory_space<hbm>>
    %dma_start3A_148 = tpu.memref_squeeze %dma_start3A_147 : memref<1x8x1024xf32, #tpu.memory_space<hbm>> -> memref<8x1024xf32, #tpu.memory_space<hbm>>
    %dma_start3A_149 = arith.constant 0 : i32
    %dma_start3A_150 = arith.constant 0 : i32
    %dma_start3A_151 = tpu.memref_slice %arg12[%dma_start3A_138, %dma_start3A_149, %dma_start3A_150] : memref<8x8x1024xf32, #tpu.memory_space<vmem>> -> memref<1x8x1024xf32, #tpu.memory_space<vmem>>
    %dma_start3A_152 = tpu.memref_squeeze %dma_start3A_151 : memref<1x8x1024xf32, #tpu.memory_space<vmem>> -> memref<8x1024xf32, #tpu.memory_space<vmem>>
    tpu.enqueue_dma source(%dma_start3A_152 : memref<8x1024xf32, #tpu.memory_space<vmem>>) target(%dma_start3A_148 : memref<8x1024xf32, #tpu.memory_space<hbm>>) target_semaphore(%arg23 : memref<!tpu.dma_semaphore, #tpu.memory_space<semaphore_mem>>)
    %dma_start3A_153 = arith.constant 5 : i32
    %dma_start3A_154 = arith.constant 0 : i32
    %dma_start3A_155 = arith.constant 0 : i32
    %dma_start3A_156 = tpu.memref_slice %arg12[%dma_start3A_153, %dma_start3A_154, %dma_start3A_155] : memref<8x8x1024xf32, #tpu.memory_space<vmem>> -> memref<1x8x1024xf32, #tpu.memory_space<vmem>>
    %dma_start3A_157 = tpu.memref_squeeze %dma_start3A_156 : memref<1x8x1024xf32, #tpu.memory_space<vmem>> -> memref<8x1024xf32, #tpu.memory_space<vmem>>
    %dma_start3A_158 = arith.constant 40 : i32
    %dma_start3A_159 = tpu.memref_slice %arg9[%dma_start3A_158] : memref<512xi32, #tpu.memory_space<vmem>> -> memref<8xi32, #tpu.memory_space<vmem>>
    %dma_start3A_160 = arith.constant 0 : i32
    %dma_start3A_161 = arith.constant 0 : i32
    %dma_start3A_162 = tpu.memref_slice %arg5[%dma_start3A_160, %dma_start3A_161] : memref<100000x1024xf32, #tpu.memory_space<hbm>> -> memref<100000x1024xf32, #tpu.memory_space<hbm>>
    tpu.enqueue_indirect_dma source(%dma_start3A_162 : memref<100000x1024xf32, #tpu.memory_space<hbm>>) target(%dma_start3A_157 : memref<8x1024xf32, #tpu.memory_space<vmem>>) offsets(%dma_start3A_159 : memref<8xi32, #tpu.memory_space<vmem>>) semaphore(%arg19 : memref<!tpu.dma_semaphore, #tpu.memory_space<semaphore_mem>>)
    %dma_wait3A_163 = arith.constant 2 : i32
    %dma_wait3A_164 = arith.constant 0 : i32
    %dma_wait3A_165 = arith.constant 0 : i32
    %dma_wait3A_166 = tpu.memref_slice %arg12[%dma_wait3A_163, %dma_wait3A_164, %dma_wait3A_165] : memref<8x8x1024xf32, #tpu.memory_space<vmem>> -> memref<1x8x1024xf32, #tpu.memory_space<vmem>>
    %dma_wait3A_167 = tpu.memref_squeeze %dma_wait3A_166 : memref<1x8x1024xf32, #tpu.memory_space<vmem>> -> memref<8x1024xf32, #tpu.memory_space<vmem>>
    %dma_wait3A_168 = arith.constant 0 : i32
    %dma_wait3A_169 = arith.constant 0 : i32
    %dma_wait3A_170 = tpu.memref_slice %arg5[%dma_wait3A_168, %dma_wait3A_169] : memref<100000x1024xf32, #tpu.memory_space<hbm>> -> memref<8x1024xf32, #tpu.memory_space<hbm>>
    %dma_wait3A_171 = arith.constant 0 : i32
    %dma_wait3A_172 = arith.constant 0 : i32
    %dma_wait3A_173 = tpu.memref_slice %arg12[%dma_wait3A_163, %dma_wait3A_171, %dma_wait3A_172] : memref<8x8x1024xf32, #tpu.memory_space<vmem>> -> memref<1x8x1024xf32, #tpu.memory_space<vmem>>
    %dma_wait3A_174 = tpu.memref_squeeze %dma_wait3A_173 : memref<1x8x1024xf32, #tpu.memory_space<vmem>> -> memref<8x1024xf32, #tpu.memory_space<vmem>>
    %dma_wait3A_175 = arith.constant 0 : i32
    %dma_wait3A_176 = arith.constant 0 : i32
    %dma_wait3A_177 = tpu.memref_slice %arg5[%dma_wait3A_175, %dma_wait3A_176] : memref<100000x1024xf32, #tpu.memory_space<hbm>> -> memref<8x1024xf32, #tpu.memory_space<hbm>>
    tpu.wait_dma2 semaphore(%arg16 : memref<!tpu.dma_semaphore, #tpu.memory_space<semaphore_mem>>) src(%dma_wait3A_177 : memref<8x1024xf32, #tpu.memory_space<hbm>>) dst(%dma_wait3A_174 : memref<8x1024xf32, #tpu.memory_space<vmem>>)
    %add3A_178 = arith.constant 16 : i32
    %add3A_179 = arith.addi %mul3A_32, %add3A_178 : i32
    %dma_start3A_180 = arith.constant 2 : i32
    %dma_start3A_181 = arith.constant 0 : i32
    %dma_start3A_182 = arith.constant 0 : i32
    %dma_start3A_183 = tpu.memref_slice %arg12[%dma_start3A_180, %dma_start3A_181, %dma_start3A_182] : memref<8x8x1024xf32, #tpu.memory_space<vmem>> -> memref<1x8x1024xf32, #tpu.memory_space<vmem>>
    %dma_start3A_184 = tpu.memref_squeeze %dma_start3A_183 : memref<1x8x1024xf32, #tpu.memory_space<vmem>> -> memref<8x1024xf32, #tpu.memory_space<vmem>>
    %dma_start3A_185 = arith.constant 0 : i32
    %dma_start3A_186 = tpu.memref_slice %arg6[%select_n3A, %add3A_179, %dma_start3A_185] : memref<4x4096x1024xf32, #tpu.memory_space<hbm>> -> memref<1x8x1024xf32, #tpu.memory_space<hbm>>
    %dma_start3A_187 = tpu.memref_squeeze %dma_start3A_186 : memref<1x8x1024xf32, #tpu.memory_space<hbm>> -> memref<8x1024xf32, #tpu.memory_space<hbm>>
    %dma_start3A_188 = arith.constant 0 : i32
    %dma_start3A_189 = tpu.memref_slice %arg6[%select_n3A, %add3A_179, %dma_start3A_188] : memref<4x4096x1024xf32, #tpu.memory_space<hbm>> -> memref<1x8x1024xf32, #tpu.memory_space<hbm>>
    %dma_start3A_190 = tpu.memref_squeeze %dma_start3A_189 : memref<1x8x1024xf32, #tpu.memory_space<hbm>> -> memref<8x1024xf32, #tpu.memory_space<hbm>>
    %dma_start3A_191 = arith.constant 0 : i32
    %dma_start3A_192 = arith.constant 0 : i32
    %dma_start3A_193 = tpu.memref_slice %arg12[%dma_start3A_180, %dma_start3A_191, %dma_start3A_192] : memref<8x8x1024xf32, #tpu.memory_space<vmem>> -> memref<1x8x1024xf32, #tpu.memory_space<vmem>>
    %dma_start3A_194 = tpu.memref_squeeze %dma_start3A_193 : memref<1x8x1024xf32, #tpu.memory_space<vmem>> -> memref<8x1024xf32, #tpu.memory_space<vmem>>
    tpu.enqueue_dma source(%dma_start3A_194 : memref<8x1024xf32, #tpu.memory_space<vmem>>) target(%dma_start3A_190 : memref<8x1024xf32, #tpu.memory_space<hbm>>) target_semaphore(%arg24 : memref<!tpu.dma_semaphore, #tpu.memory_space<semaphore_mem>>)
    %dma_start3A_195 = arith.constant 6 : i32
    %dma_start3A_196 = arith.constant 0 : i32
    %dma_start3A_197 = arith.constant 0 : i32
    %dma_start3A_198 = tpu.memref_slice %arg12[%dma_start3A_195, %dma_start3A_196, %dma_start3A_197] : memref<8x8x1024xf32, #tpu.memory_space<vmem>> -> memref<1x8x1024xf32, #tpu.memory_space<vmem>>
    %dma_start3A_199 = tpu.memref_squeeze %dma_start3A_198 : memref<1x8x1024xf32, #tpu.memory_space<vmem>> -> memref<8x1024xf32, #tpu.memory_space<vmem>>
    %dma_start3A_200 = arith.constant 48 : i32
    %dma_start3A_201 = tpu.memref_slice %arg9[%dma_start3A_200] : memref<512xi32, #tpu.memory_space<vmem>> -> memref<8xi32, #tpu.memory_space<vmem>>
    %dma_start3A_202 = arith.constant 0 : i32
    %dma_start3A_203 = arith.constant 0 : i32
    %dma_start3A_204 = tpu.memref_slice %arg5[%dma_start3A_202, %dma_start3A_203] : memref<100000x1024xf32, #tpu.memory_space<hbm>> -> memref<100000x1024xf32, #tpu.memory_space<hbm>>
    tpu.enqueue_indirect_dma source(%dma_start3A_204 : memref<100000x1024xf32, #tpu.memory_space<hbm>>) target(%dma_start3A_199 : memref<8x1024xf32, #tpu.memory_space<vmem>>) offsets(%dma_start3A_201 : memref<8xi32, #tpu.memory_space<vmem>>) semaphore(%arg20 : memref<!tpu.dma_semaphore, #tpu.memory_space<semaphore_mem>>)
    %dma_wait3A_205 = arith.constant 3 : i32
    %dma_wait3A_206 = arith.constant 0 : i32
    %dma_wait3A_207 = arith.constant 0 : i32
    %dma_wait3A_208 = tpu.memref_slice %arg12[%dma_wait3A_205, %dma_wait3A_206, %dma_wait3A_207] : memref<8x8x1024xf32, #tpu.memory_space<vmem>> -> memref<1x8x1024xf32, #tpu.memory_space<vmem>>
    %dma_wait3A_209 = tpu.memref_squeeze %dma_wait3A_208 : memref<1x8x1024xf32, #tpu.memory_space<vmem>> -> memref<8x1024xf32, #tpu.memory_space<vmem>>
    %dma_wait3A_210 = arith.constant 0 : i32
    %dma_wait3A_211 = arith.constant 0 : i32
    %dma_wait3A_212 = tpu.memref_slice %arg5[%dma_wait3A_210, %dma_wait3A_211] : memref<100000x1024xf32, #tpu.memory_space<hbm>> -> memref<8x1024xf32, #tpu.memory_space<hbm>>
    %dma_wait3A_213 = arith.constant 0 : i32
    %dma_wait3A_214 = arith.constant 0 : i32
    %dma_wait3A_215 = tpu.memref_slice %arg12[%dma_wait3A_205, %dma_wait3A_213, %dma_wait3A_214] : memref<8x8x1024xf32, #tpu.memory_space<vmem>> -> memref<1x8x1024xf32, #tpu.memory_space<vmem>>
    %dma_wait3A_216 = tpu.memref_squeeze %dma_wait3A_215 : memref<1x8x1024xf32, #tpu.memory_space<vmem>> -> memref<8x1024xf32, #tpu.memory_space<vmem>>
    %dma_wait3A_217 = arith.constant 0 : i32
    %dma_wait3A_218 = arith.constant 0 : i32
    %dma_wait3A_219 = tpu.memref_slice %arg5[%dma_wait3A_217, %dma_wait3A_218] : memref<100000x1024xf32, #tpu.memory_space<hbm>> -> memref<8x1024xf32, #tpu.memory_space<hbm>>
    tpu.wait_dma2 semaphore(%arg17 : memref<!tpu.dma_semaphore, #tpu.memory_space<semaphore_mem>>) src(%dma_wait3A_219 : memref<8x1024xf32, #tpu.memory_space<hbm>>) dst(%dma_wait3A_216 : memref<8x1024xf32, #tpu.memory_space<vmem>>)
    %add3A_220 = arith.constant 24 : i32
    %add3A_221 = arith.addi %mul3A_32, %add3A_220 : i32
    %dma_start3A_222 = arith.constant 3 : i32
    %dma_start3A_223 = arith.constant 0 : i32
    %dma_start3A_224 = arith.constant 0 : i32
    %dma_start3A_225 = tpu.memref_slice %arg12[%dma_start3A_222, %dma_start3A_223, %dma_start3A_224] : memref<8x8x1024xf32, #tpu.memory_space<vmem>> -> memref<1x8x1024xf32, #tpu.memory_space<vmem>>
    %dma_start3A_226 = tpu.memref_squeeze %dma_start3A_225 : memref<1x8x1024xf32, #tpu.memory_space<vmem>> -> memref<8x1024xf32, #tpu.memory_space<vmem>>
    %dma_start3A_227 = arith.constant 0 : i32
    %dma_start3A_228 = tpu.memref_slice %arg6[%select_n3A, %add3A_221, %dma_start3A_227] : memref<4x4096x1024xf32, #tpu.memory_space<hbm>> -> memref<1x8x1024xf32, #tpu.memory_space<hbm>>
    %dma_start3A_229 = tpu.memref_squeeze %dma_start3A_228 : memref<1x8x1024xf32, #tpu.memory_space<hbm>> -> memref<8x1024xf32, #tpu.memory_space<hbm>>
    %dma_start3A_230 = arith.constant 0 : i32
    %dma_start3A_231 = tpu.memref_slice %arg6[%select_n3A, %add3A_221, %dma_start3A_230] : memref<4x4096x1024xf32, #tpu.memory_space<hbm>> -> memref<1x8x1024xf32, #tpu.memory_space<hbm>>
    %dma_start3A_232 = tpu.memref_squeeze %dma_start3A_231 : memref<1x8x1024xf32, #tpu.memory_space<hbm>> -> memref<8x1024xf32, #tpu.memory_space<hbm>>
    %dma_start3A_233 = arith.constant 0 : i32
    %dma_start3A_234 = arith.constant 0 : i32
    %dma_start3A_235 = tpu.memref_slice %arg12[%dma_start3A_222, %dma_start3A_233, %dma_start3A_234] : memref<8x8x1024xf32, #tpu.memory_space<vmem>> -> memref<1x8x1024xf32, #tpu.memory_space<vmem>>
    %dma_start3A_236 = tpu.memref_squeeze %dma_start3A_235 : memref<1x8x1024xf32, #tpu.memory_space<vmem>> -> memref<8x1024xf32, #tpu.memory_space<vmem>>
    tpu.enqueue_dma source(%dma_start3A_236 : memref<8x1024xf32, #tpu.memory_space<vmem>>) target(%dma_start3A_232 : memref<8x1024xf32, #tpu.memory_space<hbm>>) target_semaphore(%arg25 : memref<!tpu.dma_semaphore, #tpu.memory_space<semaphore_mem>>)
    %dma_start3A_237 = arith.constant 7 : i32
    %dma_start3A_238 = arith.constant 0 : i32
    %dma_start3A_239 = arith.constant 0 : i32
    %dma_start3A_240 = tpu.memref_slice %arg12[%dma_start3A_237, %dma_start3A_238, %dma_start3A_239] : memref<8x8x1024xf32, #tpu.memory_space<vmem>> -> memref<1x8x1024xf32, #tpu.memory_space<vmem>>
    %dma_start3A_241 = tpu.memref_squeeze %dma_start3A_240 : memref<1x8x1024xf32, #tpu.memory_space<vmem>> -> memref<8x1024xf32, #tpu.memory_space<vmem>>
    %dma_start3A_242 = arith.constant 56 : i32
    %dma_start3A_243 = tpu.memref_slice %arg9[%dma_start3A_242] : memref<512xi32, #tpu.memory_space<vmem>> -> memref<8xi32, #tpu.memory_space<vmem>>
    %dma_start3A_244 = arith.constant 0 : i32
    %dma_start3A_245 = arith.constant 0 : i32
    %dma_start3A_246 = tpu.memref_slice %arg5[%dma_start3A_244, %dma_start3A_245] : memref<100000x1024xf32, #tpu.memory_space<hbm>> -> memref<100000x1024xf32, #tpu.memory_space<hbm>>
    tpu.enqueue_indirect_dma source(%dma_start3A_246 : memref<100000x1024xf32, #tpu.memory_space<hbm>>) target(%dma_start3A_241 : memref<8x1024xf32, #tpu.memory_space<vmem>>) offsets(%dma_start3A_243 : memref<8xi32, #tpu.memory_space<vmem>>) semaphore(%arg21 : memref<!tpu.dma_semaphore, #tpu.memory_space<semaphore_mem>>)
    %dma_wait3A_247 = arith.constant 0 : i32
    %dma_wait3A_248 = arith.constant 0 : i32
    %dma_wait3A_249 = tpu.memref_slice %arg3[%dma_wait3A_247, %dma_wait3A_248] : memref<4x4096xi32, #tpu.memory_space<hbm>> -> memref<1x512xi32, #tpu.memory_space<hbm>>
    %dma_wait3A_250 = tpu.memref_squeeze %dma_wait3A_249 : memref<1x512xi32, #tpu.memory_space<hbm>> -> memref<512xi32, #tpu.memory_space<hbm>>
    %dma_wait3A_251 = arith.constant 0 : i32
    %dma_wait3A_252 = tpu.memref_slice %arg3[%dma_wait3A_247, %dma_wait3A_251] : memref<4x4096xi32, #tpu.memory_space<hbm>> -> memref<1x512xi32, #tpu.memory_space<hbm>>
    %dma_wait3A_253 = tpu.memref_squeeze %dma_wait3A_252 : memref<1x512xi32, #tpu.memory_space<hbm>> -> memref<512xi32, #tpu.memory_space<hbm>>
    tpu.wait_dma2 semaphore(%arg13 : memref<!tpu.dma_semaphore, #tpu.memory_space<semaphore_mem>>) src(%dma_wait3A_253 : memref<512xi32, #tpu.memory_space<hbm>>) dst(%arg10 : memref<512xi32, #tpu.memory_space<vmem>>)
    %dma_wait3A_254 = arith.constant 0 : i32
    %dma_wait3A_255 = arith.constant 0 : i32
    %dma_wait3A_256 = tpu.memref_slice %arg4[%dma_wait3A_254, %dma_wait3A_255] : memref<4x4096xi32, #tpu.memory_space<hbm>> -> memref<1x512xi32, #tpu.memory_space<hbm>>
    %dma_wait3A_257 = tpu.memref_squeeze %dma_wait3A_256 : memref<1x512xi32, #tpu.memory_space<hbm>> -> memref<512xi32, #tpu.memory_space<hbm>>
    %dma_wait3A_258 = arith.constant 0 : i32
    %dma_wait3A_259 = tpu.memref_slice %arg4[%dma_wait3A_254, %dma_wait3A_258] : memref<4x4096xi32, #tpu.memory_space<hbm>> -> memref<1x512xi32, #tpu.memory_space<hbm>>
    %dma_wait3A_260 = tpu.memref_squeeze %dma_wait3A_259 : memref<1x512xi32, #tpu.memory_space<hbm>> -> memref<512xi32, #tpu.memory_space<hbm>>
    tpu.wait_dma2 semaphore(%arg13 : memref<!tpu.dma_semaphore, #tpu.memory_space<semaphore_mem>>) src(%dma_wait3A_260 : memref<512xi32, #tpu.memory_space<hbm>>) dst(%arg11 : memref<512xi32, #tpu.memory_space<vmem>>)
    %dma_start3A_261 = tpu.memref_slice %arg7[%select_n3A, %mul3A_32] : memref<4x4096xi32, #tpu.memory_space<hbm>> -> memref<1x512xi32, #tpu.memory_space<hbm>>
    %dma_start3A_262 = tpu.memref_squeeze %dma_start3A_261 : memref<1x512xi32, #tpu.memory_space<hbm>> -> memref<512xi32, #tpu.memory_space<hbm>>
    %dma_start3A_263 = tpu.memref_slice %arg7[%select_n3A, %mul3A_32] : memref<4x4096xi32, #tpu.memory_space<hbm>> -> memref<1x512xi32, #tpu.memory_space<hbm>>
    %dma_start3A_264 = tpu.memref_squeeze %dma_start3A_263 : memref<1x512xi32, #tpu.memory_space<hbm>> -> memref<512xi32, #tpu.memory_space<hbm>>
    tpu.enqueue_dma source(%arg10 : memref<512xi32, #tpu.memory_space<vmem>>) target(%dma_start3A_264 : memref<512xi32, #tpu.memory_space<hbm>>) target_semaphore(%arg13 : memref<!tpu.dma_semaphore, #tpu.memory_space<semaphore_mem>>)
    %dma_start3A_265 = tpu.memref_slice %arg8[%select_n3A, %mul3A_32] : memref<4x4096xi32, #tpu.memory_space<hbm>> -> memref<1x512xi32, #tpu.memory_space<hbm>>
    %dma_start3A_266 = tpu.memref_squeeze %dma_start3A_265 : memref<1x512xi32, #tpu.memory_space<hbm>> -> memref<512xi32, #tpu.memory_space<hbm>>
    %dma_start3A_267 = tpu.memref_slice %arg8[%select_n3A, %mul3A_32] : memref<4x4096xi32, #tpu.memory_space<hbm>> -> memref<1x512xi32, #tpu.memory_space<hbm>>
    %dma_start3A_268 = tpu.memref_squeeze %dma_start3A_267 : memref<1x512xi32, #tpu.memory_space<hbm>> -> memref<512xi32, #tpu.memory_space<hbm>>
    tpu.enqueue_dma source(%arg11 : memref<512xi32, #tpu.memory_space<vmem>>) target(%dma_start3A_268 : memref<512xi32, #tpu.memory_space<hbm>>) target_semaphore(%arg13 : memref<!tpu.dma_semaphore, #tpu.memory_space<semaphore_mem>>)
    %scan3A = arith.constant 0 : i32
    %scan3A_269 = arith.constant 0 : i32
    %scan3A_270 = arith.constant 7 : i32
    %scan3A_271 = arith.addi %scan3A_269, %scan3A_270 : i32
    %scan3A_272 = arith.constant 1 : i32
    scf.for %scan3A_560 = %scan3A_269 to %scan3A_271 step %scan3A_272  : i32 {
      %mul3A_561 = arith.constant 8 : i32
      %mul3A_562 = arith.muli %mul3A_561, %scan3A_560 : i32
      %add3A_563 = arith.constant 0 : i32
      %add3A_564 = arith.addi %mul3A_562, %add3A_563 : i32
      %add3A_565 = arith.constant 4 : i32
      %add3A_566 = arith.addi %add3A_564, %add3A_565 : i32
      %dma_wait3A_567 = arith.constant 4 : i32
      %dma_wait3A_568 = arith.constant 0 : i32
      %dma_wait3A_569 = arith.constant 0 : i32
      %dma_wait3A_570 = tpu.memref_slice %arg12[%dma_wait3A_567, %dma_wait3A_568, %dma_wait3A_569] : memref<8x8x1024xf32, #tpu.memory_space<vmem>> -> memref<1x8x1024xf32, #tpu.memory_space<vmem>>
      %dma_wait3A_571 = tpu.memref_squeeze %dma_wait3A_570 : memref<1x8x1024xf32, #tpu.memory_space<vmem>> -> memref<8x1024xf32, #tpu.memory_space<vmem>>
      %dma_wait3A_572 = arith.constant 0 : i32
      %dma_wait3A_573 = arith.constant 0 : i32
      %dma_wait3A_574 = tpu.memref_slice %arg5[%dma_wait3A_572, %dma_wait3A_573] : memref<100000x1024xf32, #tpu.memory_space<hbm>> -> memref<8x1024xf32, #tpu.memory_space<hbm>>
      %dma_wait3A_575 = arith.constant 0 : i32
      %dma_wait3A_576 = arith.constant 0 : i32
      %dma_wait3A_577 = tpu.memref_slice %arg12[%dma_wait3A_567, %dma_wait3A_575, %dma_wait3A_576] : memref<8x8x1024xf32, #tpu.memory_space<vmem>> -> memref<1x8x1024xf32, #tpu.memory_space<vmem>>
      %dma_wait3A_578 = tpu.memref_squeeze %dma_wait3A_577 : memref<1x8x1024xf32, #tpu.memory_space<vmem>> -> memref<8x1024xf32, #tpu.memory_space<vmem>>
      %dma_wait3A_579 = arith.constant 0 : i32
      %dma_wait3A_580 = arith.constant 0 : i32
      %dma_wait3A_581 = tpu.memref_slice %arg5[%dma_wait3A_579, %dma_wait3A_580] : memref<100000x1024xf32, #tpu.memory_space<hbm>> -> memref<8x1024xf32, #tpu.memory_space<hbm>>
      tpu.wait_dma2 semaphore(%arg18 : memref<!tpu.dma_semaphore, #tpu.memory_space<semaphore_mem>>) src(%dma_wait3A_581 : memref<8x1024xf32, #tpu.memory_space<hbm>>) dst(%dma_wait3A_578 : memref<8x1024xf32, #tpu.memory_space<vmem>>)
      %mul3A_582 = arith.constant 8 : i32
      %mul3A_583 = arith.muli %add3A_566, %mul3A_582 : i32
      %add3A_584 = arith.addi %mul3A_32, %mul3A_583 : i32
      %dma_start3A_585 = arith.constant 4 : i32
      %dma_start3A_586 = arith.constant 0 : i32
      %dma_start3A_587 = arith.constant 0 : i32
      %dma_start3A_588 = tpu.memref_slice %arg12[%dma_start3A_585, %dma_start3A_586, %dma_start3A_587] : memref<8x8x1024xf32, #tpu.memory_space<vmem>> -> memref<1x8x1024xf32, #tpu.memory_space<vmem>>
      %dma_start3A_589 = tpu.memref_squeeze %dma_start3A_588 : memref<1x8x1024xf32, #tpu.memory_space<vmem>> -> memref<8x1024xf32, #tpu.memory_space<vmem>>
      %dma_start3A_590 = arith.constant 0 : i32
      %dma_start3A_591 = tpu.memref_slice %arg6[%select_n3A, %add3A_584, %dma_start3A_590] : memref<4x4096x1024xf32, #tpu.memory_space<hbm>> -> memref<1x8x1024xf32, #tpu.memory_space<hbm>>
      %dma_start3A_592 = tpu.memref_squeeze %dma_start3A_591 : memref<1x8x1024xf32, #tpu.memory_space<hbm>> -> memref<8x1024xf32, #tpu.memory_space<hbm>>
      %dma_start3A_593 = arith.constant 0 : i32
      %dma_start3A_594 = tpu.memref_slice %arg6[%select_n3A, %add3A_584, %dma_start3A_593] : memref<4x4096x1024xf32, #tpu.memory_space<hbm>> -> memref<1x8x1024xf32, #tpu.memory_space<hbm>>
      %dma_start3A_595 = tpu.memref_squeeze %dma_start3A_594 : memref<1x8x1024xf32, #tpu.memory_space<hbm>> -> memref<8x1024xf32, #tpu.memory_space<hbm>>
      %dma_start3A_596 = arith.constant 0 : i32
      %dma_start3A_597 = arith.constant 0 : i32
      %dma_start3A_598 = tpu.memref_slice %arg12[%dma_start3A_585, %dma_start3A_596, %dma_start3A_597] : memref<8x8x1024xf32, #tpu.memory_space<vmem>> -> memref<1x8x1024xf32, #tpu.memory_space<vmem>>
      %dma_start3A_599 = tpu.memref_squeeze %dma_start3A_598 : memref<1x8x1024xf32, #tpu.memory_space<vmem>> -> memref<8x1024xf32, #tpu.memory_space<vmem>>
      tpu.enqueue_dma source(%dma_start3A_599 : memref<8x1024xf32, #tpu.memory_space<vmem>>) target(%dma_start3A_595 : memref<8x1024xf32, #tpu.memory_space<hbm>>) target_semaphore(%arg26 : memref<!tpu.dma_semaphore, #tpu.memory_space<semaphore_mem>>)
      %dma_wait3A_600 = arith.constant 0 : i32
      %dma_wait3A_601 = arith.constant 0 : i32
      %dma_wait3A_602 = arith.constant 0 : i32
      %dma_wait3A_603 = arith.constant 0 : i32
      %dma_wait3A_604 = tpu.memref_slice %arg12[%dma_wait3A_600, %dma_wait3A_602, %dma_wait3A_603] : memref<8x8x1024xf32, #tpu.memory_space<vmem>> -> memref<1x8x1024xf32, #tpu.memory_space<vmem>>
      %dma_wait3A_605 = tpu.memref_squeeze %dma_wait3A_604 : memref<1x8x1024xf32, #tpu.memory_space<vmem>> -> memref<8x1024xf32, #tpu.memory_space<vmem>>
      %dma_wait3A_606 = arith.constant 0 : i32
      %dma_wait3A_607 = arith.constant 0 : i32
      %dma_wait3A_608 = tpu.memref_slice %arg6[%dma_wait3A_601, %dma_wait3A_606, %dma_wait3A_607] : memref<4x4096x1024xf32, #tpu.memory_space<hbm>> -> memref<1x8x1024xf32, #tpu.memory_space<hbm>>
      %dma_wait3A_609 = tpu.memref_squeeze %dma_wait3A_608 : memref<1x8x1024xf32, #tpu.memory_space<hbm>> -> memref<8x1024xf32, #tpu.memory_space<hbm>>
      %dma_wait3A_610 = arith.constant 0 : i32
      %dma_wait3A_611 = arith.constant 0 : i32
      %dma_wait3A_612 = tpu.memref_slice %arg6[%dma_wait3A_601, %dma_wait3A_610, %dma_wait3A_611] : memref<4x4096x1024xf32, #tpu.memory_space<hbm>> -> memref<1x8x1024xf32, #tpu.memory_space<hbm>>
      %dma_wait3A_613 = tpu.memref_squeeze %dma_wait3A_612 : memref<1x8x1024xf32, #tpu.memory_space<hbm>> -> memref<8x1024xf32, #tpu.memory_space<hbm>>
      %dma_wait3A_614 = arith.constant 0 : i32
      %dma_wait3A_615 = arith.constant 0 : i32
      %dma_wait3A_616 = tpu.memref_slice %arg12[%dma_wait3A_600, %dma_wait3A_614, %dma_wait3A_615] : memref<8x8x1024xf32, #tpu.memory_space<vmem>> -> memref<1x8x1024xf32, #tpu.memory_space<vmem>>
      %dma_wait3A_617 = tpu.memref_squeeze %dma_wait3A_616 : memref<1x8x1024xf32, #tpu.memory_space<vmem>> -> memref<8x1024xf32, #tpu.memory_space<vmem>>
      tpu.wait_dma2 semaphore(%arg22 : memref<!tpu.dma_semaphore, #tpu.memory_space<semaphore_mem>>) src(%dma_wait3A_617 : memref<8x1024xf32, #tpu.memory_space<vmem>>) dst(%dma_wait3A_613 : memref<8x1024xf32, #tpu.memory_space<hbm>>)
      %add3A_618 = arith.constant 4 : i32
      %add3A_619 = arith.addi %add3A_566, %add3A_618 : i32
      %mul3A_620 = arith.constant 8 : i32
      %mul3A_621 = arith.muli %add3A_619, %mul3A_620 : i32
      %dma_start3A_622 = arith.constant 0 : i32
      %dma_start3A_623 = arith.constant 0 : i32
      %dma_start3A_624 = arith.constant 0 : i32
      %dma_start3A_625 = tpu.memref_slice %arg12[%dma_start3A_622, %dma_start3A_623, %dma_start3A_624] : memref<8x8x1024xf32, #tpu.memory_space<vmem>> -> memref<1x8x1024xf32, #tpu.memory_space<vmem>>
      %dma_start3A_626 = tpu.memref_squeeze %dma_start3A_625 : memref<1x8x1024xf32, #tpu.memory_space<vmem>> -> memref<8x1024xf32, #tpu.memory_space<vmem>>
      %dma_start3A_627 = tpu.memref_slice %arg9[%mul3A_621] : memref<512xi32, #tpu.memory_space<vmem>> -> memref<8xi32, #tpu.memory_space<vmem>>
      %dma_start3A_628 = arith.constant 0 : i32
      %dma_start3A_629 = arith.constant 0 : i32
      %dma_start3A_630 = tpu.memref_slice %arg5[%dma_start3A_628, %dma_start3A_629] : memref<100000x1024xf32, #tpu.memory_space<hbm>> -> memref<100000x1024xf32, #tpu.memory_space<hbm>>
      tpu.enqueue_indirect_dma source(%dma_start3A_630 : memref<100000x1024xf32, #tpu.memory_space<hbm>>) target(%dma_start3A_626 : memref<8x1024xf32, #tpu.memory_space<vmem>>) offsets(%dma_start3A_627 : memref<8xi32, #tpu.memory_space<vmem>>) semaphore(%arg14 : memref<!tpu.dma_semaphore, #tpu.memory_space<semaphore_mem>>)
      %mul3A_631 = arith.constant 8 : i32
      %mul3A_632 = arith.muli %mul3A_631, %scan3A_560 : i32
      %add3A_633 = arith.constant 1 : i32
      %add3A_634 = arith.addi %mul3A_632, %add3A_633 : i32
      %add3A_635 = arith.constant 4 : i32
      %add3A_636 = arith.addi %add3A_634, %add3A_635 : i32
      %dma_wait3A_637 = arith.constant 5 : i32
      %dma_wait3A_638 = arith.constant 0 : i32
      %dma_wait3A_639 = arith.constant 0 : i32
      %dma_wait3A_640 = tpu.memref_slice %arg12[%dma_wait3A_637, %dma_wait3A_638, %dma_wait3A_639] : memref<8x8x1024xf32, #tpu.memory_space<vmem>> -> memref<1x8x1024xf32, #tpu.memory_space<vmem>>
      %dma_wait3A_641 = tpu.memref_squeeze %dma_wait3A_640 : memref<1x8x1024xf32, #tpu.memory_space<vmem>> -> memref<8x1024xf32, #tpu.memory_space<vmem>>
      %dma_wait3A_642 = arith.constant 0 : i32
      %dma_wait3A_643 = arith.constant 0 : i32
      %dma_wait3A_644 = tpu.memref_slice %arg5[%dma_wait3A_642, %dma_wait3A_643] : memref<100000x1024xf32, #tpu.memory_space<hbm>> -> memref<8x1024xf32, #tpu.memory_space<hbm>>
      %dma_wait3A_645 = arith.constant 0 : i32
      %dma_wait3A_646 = arith.constant 0 : i32
      %dma_wait3A_647 = tpu.memref_slice %arg12[%dma_wait3A_637, %dma_wait3A_645, %dma_wait3A_646] : memref<8x8x1024xf32, #tpu.memory_space<vmem>> -> memref<1x8x1024xf32, #tpu.memory_space<vmem>>
      %dma_wait3A_648 = tpu.memref_squeeze %dma_wait3A_647 : memref<1x8x1024xf32, #tpu.memory_space<vmem>> -> memref<8x1024xf32, #tpu.memory_space<vmem>>
      %dma_wait3A_649 = arith.constant 0 : i32
      %dma_wait3A_650 = arith.constant 0 : i32
      %dma_wait3A_651 = tpu.memref_slice %arg5[%dma_wait3A_649, %dma_wait3A_650] : memref<100000x1024xf32, #tpu.memory_space<hbm>> -> memref<8x1024xf32, #tpu.memory_space<hbm>>
      tpu.wait_dma2 semaphore(%arg19 : memref<!tpu.dma_semaphore, #tpu.memory_space<semaphore_mem>>) src(%dma_wait3A_651 : memref<8x1024xf32, #tpu.memory_space<hbm>>) dst(%dma_wait3A_648 : memref<8x1024xf32, #tpu.memory_space<vmem>>)
      %mul3A_652 = arith.constant 8 : i32
      %mul3A_653 = arith.muli %add3A_636, %mul3A_652 : i32
      %add3A_654 = arith.addi %mul3A_32, %mul3A_653 : i32
      %dma_start3A_655 = arith.constant 5 : i32
      %dma_start3A_656 = arith.constant 0 : i32
      %dma_start3A_657 = arith.constant 0 : i32
      %dma_start3A_658 = tpu.memref_slice %arg12[%dma_start3A_655, %dma_start3A_656, %dma_start3A_657] : memref<8x8x1024xf32, #tpu.memory_space<vmem>> -> memref<1x8x1024xf32, #tpu.memory_space<vmem>>
      %dma_start3A_659 = tpu.memref_squeeze %dma_start3A_658 : memref<1x8x1024xf32, #tpu.memory_space<vmem>> -> memref<8x1024xf32, #tpu.memory_space<vmem>>
      %dma_start3A_660 = arith.constant 0 : i32
      %dma_start3A_661 = tpu.memref_slice %arg6[%select_n3A, %add3A_654, %dma_start3A_660] : memref<4x4096x1024xf32, #tpu.memory_space<hbm>> -> memref<1x8x1024xf32, #tpu.memory_space<hbm>>
      %dma_start3A_662 = tpu.memref_squeeze %dma_start3A_661 : memref<1x8x1024xf32, #tpu.memory_space<hbm>> -> memref<8x1024xf32, #tpu.memory_space<hbm>>
      %dma_start3A_663 = arith.constant 0 : i32
      %dma_start3A_664 = tpu.memref_slice %arg6[%select_n3A, %add3A_654, %dma_start3A_663] : memref<4x4096x1024xf32, #tpu.memory_space<hbm>> -> memref<1x8x1024xf32, #tpu.memory_space<hbm>>
      %dma_start3A_665 = tpu.memref_squeeze %dma_start3A_664 : memref<1x8x1024xf32, #tpu.memory_space<hbm>> -> memref<8x1024xf32, #tpu.memory_space<hbm>>
      %dma_start3A_666 = arith.constant 0 : i32
      %dma_start3A_667 = arith.constant 0 : i32
      %dma_start3A_668 = tpu.memref_slice %arg12[%dma_start3A_655, %dma_start3A_666, %dma_start3A_667] : memref<8x8x1024xf32, #tpu.memory_space<vmem>> -> memref<1x8x1024xf32, #tpu.memory_space<vmem>>
      %dma_start3A_669 = tpu.memref_squeeze %dma_start3A_668 : memref<1x8x1024xf32, #tpu.memory_space<vmem>> -> memref<8x1024xf32, #tpu.memory_space<vmem>>
      tpu.enqueue_dma source(%dma_start3A_669 : memref<8x1024xf32, #tpu.memory_space<vmem>>) target(%dma_start3A_665 : memref<8x1024xf32, #tpu.memory_space<hbm>>) target_semaphore(%arg27 : memref<!tpu.dma_semaphore, #tpu.memory_space<semaphore_mem>>)
      %dma_wait3A_670 = arith.constant 1 : i32
      %dma_wait3A_671 = arith.constant 0 : i32
      %dma_wait3A_672 = arith.constant 0 : i32
      %dma_wait3A_673 = arith.constant 0 : i32
      %dma_wait3A_674 = tpu.memref_slice %arg12[%dma_wait3A_670, %dma_wait3A_672, %dma_wait3A_673] : memref<8x8x1024xf32, #tpu.memory_space<vmem>> -> memref<1x8x1024xf32, #tpu.memory_space<vmem>>
      %dma_wait3A_675 = tpu.memref_squeeze %dma_wait3A_674 : memref<1x8x1024xf32, #tpu.memory_space<vmem>> -> memref<8x1024xf32, #tpu.memory_space<vmem>>
      %dma_wait3A_676 = arith.constant 0 : i32
      %dma_wait3A_677 = arith.constant 0 : i32
      %dma_wait3A_678 = tpu.memref_slice %arg6[%dma_wait3A_671, %dma_wait3A_676, %dma_wait3A_677] : memref<4x4096x1024xf32, #tpu.memory_space<hbm>> -> memref<1x8x1024xf32, #tpu.memory_space<hbm>>
      %dma_wait3A_679 = tpu.memref_squeeze %dma_wait3A_678 : memref<1x8x1024xf32, #tpu.memory_space<hbm>> -> memref<8x1024xf32, #tpu.memory_space<hbm>>
      %dma_wait3A_680 = arith.constant 0 : i32
      %dma_wait3A_681 = arith.constant 0 : i32
      %dma_wait3A_682 = tpu.memref_slice %arg6[%dma_wait3A_671, %dma_wait3A_680, %dma_wait3A_681] : memref<4x4096x1024xf32, #tpu.memory_space<hbm>> -> memref<1x8x1024xf32, #tpu.memory_space<hbm>>
      %dma_wait3A_683 = tpu.memref_squeeze %dma_wait3A_682 : memref<1x8x1024xf32, #tpu.memory_space<hbm>> -> memref<8x1024xf32, #tpu.memory_space<hbm>>
      %dma_wait3A_684 = arith.constant 0 : i32
      %dma_wait3A_685 = arith.constant 0 : i32
      %dma_wait3A_686 = tpu.memref_slice %arg12[%dma_wait3A_670, %dma_wait3A_684, %dma_wait3A_685] : memref<8x8x1024xf32, #tpu.memory_space<vmem>> -> memref<1x8x1024xf32, #tpu.memory_space<vmem>>
      %dma_wait3A_687 = tpu.memref_squeeze %dma_wait3A_686 : memref<1x8x1024xf32, #tpu.memory_space<vmem>> -> memref<8x1024xf32, #tpu.memory_space<vmem>>
      tpu.wait_dma2 semaphore(%arg23 : memref<!tpu.dma_semaphore, #tpu.memory_space<semaphore_mem>>) src(%dma_wait3A_687 : memref<8x1024xf32, #tpu.memory_space<vmem>>) dst(%dma_wait3A_683 : memref<8x1024xf32, #tpu.memory_space<hbm>>)
      %add3A_688 = arith.constant 4 : i32
      %add3A_689 = arith.addi %add3A_636, %add3A_688 : i32
      %mul3A_690 = arith.constant 8 : i32
      %mul3A_691 = arith.muli %add3A_689, %mul3A_690 : i32
      %dma_start3A_692 = arith.constant 1 : i32
      %dma_start3A_693 = arith.constant 0 : i32
      %dma_start3A_694 = arith.constant 0 : i32
      %dma_start3A_695 = tpu.memref_slice %arg12[%dma_start3A_692, %dma_start3A_693, %dma_start3A_694] : memref<8x8x1024xf32, #tpu.memory_space<vmem>> -> memref<1x8x1024xf32, #tpu.memory_space<vmem>>
      %dma_start3A_696 = tpu.memref_squeeze %dma_start3A_695 : memref<1x8x1024xf32, #tpu.memory_space<vmem>> -> memref<8x1024xf32, #tpu.memory_space<vmem>>
      %dma_start3A_697 = tpu.memref_slice %arg9[%mul3A_691] : memref<512xi32, #tpu.memory_space<vmem>> -> memref<8xi32, #tpu.memory_space<vmem>>
      %dma_start3A_698 = arith.constant 0 : i32
      %dma_start3A_699 = arith.constant 0 : i32
      %dma_start3A_700 = tpu.memref_slice %arg5[%dma_start3A_698, %dma_start3A_699] : memref<100000x1024xf32, #tpu.memory_space<hbm>> -> memref<100000x1024xf32, #tpu.memory_space<hbm>>
      tpu.enqueue_indirect_dma source(%dma_start3A_700 : memref<100000x1024xf32, #tpu.memory_space<hbm>>) target(%dma_start3A_696 : memref<8x1024xf32, #tpu.memory_space<vmem>>) offsets(%dma_start3A_697 : memref<8xi32, #tpu.memory_space<vmem>>) semaphore(%arg15 : memref<!tpu.dma_semaphore, #tpu.memory_space<semaphore_mem>>)
      %mul3A_701 = arith.constant 8 : i32
      %mul3A_702 = arith.muli %mul3A_701, %scan3A_560 : i32
      %add3A_703 = arith.constant 2 : i32
      %add3A_704 = arith.addi %mul3A_702, %add3A_703 : i32
      %add3A_705 = arith.constant 4 : i32
      %add3A_706 = arith.addi %add3A_704, %add3A_705 : i32
      %dma_wait3A_707 = arith.constant 6 : i32
      %dma_wait3A_708 = arith.constant 0 : i32
      %dma_wait3A_709 = arith.constant 0 : i32
      %dma_wait3A_710 = tpu.memref_slice %arg12[%dma_wait3A_707, %dma_wait3A_708, %dma_wait3A_709] : memref<8x8x1024xf32, #tpu.memory_space<vmem>> -> memref<1x8x1024xf32, #tpu.memory_space<vmem>>
      %dma_wait3A_711 = tpu.memref_squeeze %dma_wait3A_710 : memref<1x8x1024xf32, #tpu.memory_space<vmem>> -> memref<8x1024xf32, #tpu.memory_space<vmem>>
      %dma_wait3A_712 = arith.constant 0 : i32
      %dma_wait3A_713 = arith.constant 0 : i32
      %dma_wait3A_714 = tpu.memref_slice %arg5[%dma_wait3A_712, %dma_wait3A_713] : memref<100000x1024xf32, #tpu.memory_space<hbm>> -> memref<8x1024xf32, #tpu.memory_space<hbm>>
      %dma_wait3A_715 = arith.constant 0 : i32
      %dma_wait3A_716 = arith.constant 0 : i32
      %dma_wait3A_717 = tpu.memref_slice %arg12[%dma_wait3A_707, %dma_wait3A_715, %dma_wait3A_716] : memref<8x8x1024xf32, #tpu.memory_space<vmem>> -> memref<1x8x1024xf32, #tpu.memory_space<vmem>>
      %dma_wait3A_718 = tpu.memref_squeeze %dma_wait3A_717 : memref<1x8x1024xf32, #tpu.memory_space<vmem>> -> memref<8x1024xf32, #tpu.memory_space<vmem>>
      %dma_wait3A_719 = arith.constant 0 : i32
      %dma_wait3A_720 = arith.constant 0 : i32
      %dma_wait3A_721 = tpu.memref_slice %arg5[%dma_wait3A_719, %dma_wait3A_720] : memref<100000x1024xf32, #tpu.memory_space<hbm>> -> memref<8x1024xf32, #tpu.memory_space<hbm>>
      tpu.wait_dma2 semaphore(%arg20 : memref<!tpu.dma_semaphore, #tpu.memory_space<semaphore_mem>>) src(%dma_wait3A_721 : memref<8x1024xf32, #tpu.memory_space<hbm>>) dst(%dma_wait3A_718 : memref<8x1024xf32, #tpu.memory_space<vmem>>)
      %mul3A_722 = arith.constant 8 : i32
      %mul3A_723 = arith.muli %add3A_706, %mul3A_722 : i32
      %add3A_724 = arith.addi %mul3A_32, %mul3A_723 : i32
      %dma_start3A_725 = arith.constant 6 : i32
      %dma_start3A_726 = arith.constant 0 : i32
      %dma_start3A_727 = arith.constant 0 : i32
      %dma_start3A_728 = tpu.memref_slice %arg12[%dma_start3A_725, %dma_start3A_726, %dma_start3A_727] : memref<8x8x1024xf32, #tpu.memory_space<vmem>> -> memref<1x8x1024xf32, #tpu.memory_space<vmem>>
      %dma_start3A_729 = tpu.memref_squeeze %dma_start3A_728 : memref<1x8x1024xf32, #tpu.memory_space<vmem>> -> memref<8x1024xf32, #tpu.memory_space<vmem>>
      %dma_start3A_730 = arith.constant 0 : i32
      %dma_start3A_731 = tpu.memref_slice %arg6[%select_n3A, %add3A_724, %dma_start3A_730] : memref<4x4096x1024xf32, #tpu.memory_space<hbm>> -> memref<1x8x1024xf32, #tpu.memory_space<hbm>>
      %dma_start3A_732 = tpu.memref_squeeze %dma_start3A_731 : memref<1x8x1024xf32, #tpu.memory_space<hbm>> -> memref<8x1024xf32, #tpu.memory_space<hbm>>
      %dma_start3A_733 = arith.constant 0 : i32
      %dma_start3A_734 = tpu.memref_slice %arg6[%select_n3A, %add3A_724, %dma_start3A_733] : memref<4x4096x1024xf32, #tpu.memory_space<hbm>> -> memref<1x8x1024xf32, #tpu.memory_space<hbm>>
      %dma_start3A_735 = tpu.memref_squeeze %dma_start3A_734 : memref<1x8x1024xf32, #tpu.memory_space<hbm>> -> memref<8x1024xf32, #tpu.memory_space<hbm>>
      %dma_start3A_736 = arith.constant 0 : i32
      %dma_start3A_737 = arith.constant 0 : i32
      %dma_start3A_738 = tpu.memref_slice %arg12[%dma_start3A_725, %dma_start3A_736, %dma_start3A_737] : memref<8x8x1024xf32, #tpu.memory_space<vmem>> -> memref<1x8x1024xf32, #tpu.memory_space<vmem>>
      %dma_start3A_739 = tpu.memref_squeeze %dma_start3A_738 : memref<1x8x1024xf32, #tpu.memory_space<vmem>> -> memref<8x1024xf32, #tpu.memory_space<vmem>>
      tpu.enqueue_dma source(%dma_start3A_739 : memref<8x1024xf32, #tpu.memory_space<vmem>>) target(%dma_start3A_735 : memref<8x1024xf32, #tpu.memory_space<hbm>>) target_semaphore(%arg28 : memref<!tpu.dma_semaphore, #tpu.memory_space<semaphore_mem>>)
      %dma_wait3A_740 = arith.constant 2 : i32
      %dma_wait3A_741 = arith.constant 0 : i32
      %dma_wait3A_742 = arith.constant 0 : i32
      %dma_wait3A_743 = arith.constant 0 : i32
      %dma_wait3A_744 = tpu.memref_slice %arg12[%dma_wait3A_740, %dma_wait3A_742, %dma_wait3A_743] : memref<8x8x1024xf32, #tpu.memory_space<vmem>> -> memref<1x8x1024xf32, #tpu.memory_space<vmem>>
      %dma_wait3A_745 = tpu.memref_squeeze %dma_wait3A_744 : memref<1x8x1024xf32, #tpu.memory_space<vmem>> -> memref<8x1024xf32, #tpu.memory_space<vmem>>
      %dma_wait3A_746 = arith.constant 0 : i32
      %dma_wait3A_747 = arith.constant 0 : i32
      %dma_wait3A_748 = tpu.memref_slice %arg6[%dma_wait3A_741, %dma_wait3A_746, %dma_wait3A_747] : memref<4x4096x1024xf32, #tpu.memory_space<hbm>> -> memref<1x8x1024xf32, #tpu.memory_space<hbm>>
      %dma_wait3A_749 = tpu.memref_squeeze %dma_wait3A_748 : memref<1x8x1024xf32, #tpu.memory_space<hbm>> -> memref<8x1024xf32, #tpu.memory_space<hbm>>
      %dma_wait3A_750 = arith.constant 0 : i32
      %dma_wait3A_751 = arith.constant 0 : i32
      %dma_wait3A_752 = tpu.memref_slice %arg6[%dma_wait3A_741, %dma_wait3A_750, %dma_wait3A_751] : memref<4x4096x1024xf32, #tpu.memory_space<hbm>> -> memref<1x8x1024xf32, #tpu.memory_space<hbm>>
      %dma_wait3A_753 = tpu.memref_squeeze %dma_wait3A_752 : memref<1x8x1024xf32, #tpu.memory_space<hbm>> -> memref<8x1024xf32, #tpu.memory_space<hbm>>
      %dma_wait3A_754 = arith.constant 0 : i32
      %dma_wait3A_755 = arith.constant 0 : i32
      %dma_wait3A_756 = tpu.memref_slice %arg12[%dma_wait3A_740, %dma_wait3A_754, %dma_wait3A_755] : memref<8x8x1024xf32, #tpu.memory_space<vmem>> -> memref<1x8x1024xf32, #tpu.memory_space<vmem>>
      %dma_wait3A_757 = tpu.memref_squeeze %dma_wait3A_756 : memref<1x8x1024xf32, #tpu.memory_space<vmem>> -> memref<8x1024xf32, #tpu.memory_space<vmem>>
      tpu.wait_dma2 semaphore(%arg24 : memref<!tpu.dma_semaphore, #tpu.memory_space<semaphore_mem>>) src(%dma_wait3A_757 : memref<8x1024xf32, #tpu.memory_space<vmem>>) dst(%dma_wait3A_753 : memref<8x1024xf32, #tpu.memory_space<hbm>>)
      %add3A_758 = arith.constant 4 : i32
      %add3A_759 = arith.addi %add3A_706, %add3A_758 : i32
      %mul3A_760 = arith.constant 8 : i32
      %mul3A_761 = arith.muli %add3A_759, %mul3A_760 : i32
      %dma_start3A_762 = arith.constant 2 : i32
      %dma_start3A_763 = arith.constant 0 : i32
      %dma_start3A_764 = arith.constant 0 : i32
      %dma_start3A_765 = tpu.memref_slice %arg12[%dma_start3A_762, %dma_start3A_763, %dma_start3A_764] : memref<8x8x1024xf32, #tpu.memory_space<vmem>> -> memref<1x8x1024xf32, #tpu.memory_space<vmem>>
      %dma_start3A_766 = tpu.memref_squeeze %dma_start3A_765 : memref<1x8x1024xf32, #tpu.memory_space<vmem>> -> memref<8x1024xf32, #tpu.memory_space<vmem>>
      %dma_start3A_767 = tpu.memref_slice %arg9[%mul3A_761] : memref<512xi32, #tpu.memory_space<vmem>> -> memref<8xi32, #tpu.memory_space<vmem>>
      %dma_start3A_768 = arith.constant 0 : i32
      %dma_start3A_769 = arith.constant 0 : i32
      %dma_start3A_770 = tpu.memref_slice %arg5[%dma_start3A_768, %dma_start3A_769] : memref<100000x1024xf32, #tpu.memory_space<hbm>> -> memref<100000x1024xf32, #tpu.memory_space<hbm>>
      tpu.enqueue_indirect_dma source(%dma_start3A_770 : memref<100000x1024xf32, #tpu.memory_space<hbm>>) target(%dma_start3A_766 : memref<8x1024xf32, #tpu.memory_space<vmem>>) offsets(%dma_start3A_767 : memref<8xi32, #tpu.memory_space<vmem>>) semaphore(%arg16 : memref<!tpu.dma_semaphore, #tpu.memory_space<semaphore_mem>>)
      %mul3A_771 = arith.constant 8 : i32
      %mul3A_772 = arith.muli %mul3A_771, %scan3A_560 : i32
      %add3A_773 = arith.constant 3 : i32
      %add3A_774 = arith.addi %mul3A_772, %add3A_773 : i32
      %add3A_775 = arith.constant 4 : i32
      %add3A_776 = arith.addi %add3A_774, %add3A_775 : i32
      %dma_wait3A_777 = arith.constant 7 : i32
      %dma_wait3A_778 = arith.constant 0 : i32
      %dma_wait3A_779 = arith.constant 0 : i32
      %dma_wait3A_780 = tpu.memref_slice %arg12[%dma_wait3A_777, %dma_wait3A_778, %dma_wait3A_779] : memref<8x8x1024xf32, #tpu.memory_space<vmem>> -> memref<1x8x1024xf32, #tpu.memory_space<vmem>>
      %dma_wait3A_781 = tpu.memref_squeeze %dma_wait3A_780 : memref<1x8x1024xf32, #tpu.memory_space<vmem>> -> memref<8x1024xf32, #tpu.memory_space<vmem>>
      %dma_wait3A_782 = arith.constant 0 : i32
      %dma_wait3A_783 = arith.constant 0 : i32
      %dma_wait3A_784 = tpu.memref_slice %arg5[%dma_wait3A_782, %dma_wait3A_783] : memref<100000x1024xf32, #tpu.memory_space<hbm>> -> memref<8x1024xf32, #tpu.memory_space<hbm>>
      %dma_wait3A_785 = arith.constant 0 : i32
      %dma_wait3A_786 = arith.constant 0 : i32
      %dma_wait3A_787 = tpu.memref_slice %arg12[%dma_wait3A_777, %dma_wait3A_785, %dma_wait3A_786] : memref<8x8x1024xf32, #tpu.memory_space<vmem>> -> memref<1x8x1024xf32, #tpu.memory_space<vmem>>
      %dma_wait3A_788 = tpu.memref_squeeze %dma_wait3A_787 : memref<1x8x1024xf32, #tpu.memory_space<vmem>> -> memref<8x1024xf32, #tpu.memory_space<vmem>>
      %dma_wait3A_789 = arith.constant 0 : i32
      %dma_wait3A_790 = arith.constant 0 : i32
      %dma_wait3A_791 = tpu.memref_slice %arg5[%dma_wait3A_789, %dma_wait3A_790] : memref<100000x1024xf32, #tpu.memory_space<hbm>> -> memref<8x1024xf32, #tpu.memory_space<hbm>>
      tpu.wait_dma2 semaphore(%arg21 : memref<!tpu.dma_semaphore, #tpu.memory_space<semaphore_mem>>) src(%dma_wait3A_791 : memref<8x1024xf32, #tpu.memory_space<hbm>>) dst(%dma_wait3A_788 : memref<8x1024xf32, #tpu.memory_space<vmem>>)
      %mul3A_792 = arith.constant 8 : i32
      %mul3A_793 = arith.muli %add3A_776, %mul3A_792 : i32
      %add3A_794 = arith.addi %mul3A_32, %mul3A_793 : i32
      %dma_start3A_795 = arith.constant 7 : i32
      %dma_start3A_796 = arith.constant 0 : i32
      %dma_start3A_797 = arith.constant 0 : i32
      %dma_start3A_798 = tpu.memref_slice %arg12[%dma_start3A_795, %dma_start3A_796, %dma_start3A_797] : memref<8x8x1024xf32, #tpu.memory_space<vmem>> -> memref<1x8x1024xf32, #tpu.memory_space<vmem>>
      %dma_start3A_799 = tpu.memref_squeeze %dma_start3A_798 : memref<1x8x1024xf32, #tpu.memory_space<vmem>> -> memref<8x1024xf32, #tpu.memory_space<vmem>>
      %dma_start3A_800 = arith.constant 0 : i32
      %dma_start3A_801 = tpu.memref_slice %arg6[%select_n3A, %add3A_794, %dma_start3A_800] : memref<4x4096x1024xf32, #tpu.memory_space<hbm>> -> memref<1x8x1024xf32, #tpu.memory_space<hbm>>
      %dma_start3A_802 = tpu.memref_squeeze %dma_start3A_801 : memref<1x8x1024xf32, #tpu.memory_space<hbm>> -> memref<8x1024xf32, #tpu.memory_space<hbm>>
      %dma_start3A_803 = arith.constant 0 : i32
      %dma_start3A_804 = tpu.memref_slice %arg6[%select_n3A, %add3A_794, %dma_start3A_803] : memref<4x4096x1024xf32, #tpu.memory_space<hbm>> -> memref<1x8x1024xf32, #tpu.memory_space<hbm>>
      %dma_start3A_805 = tpu.memref_squeeze %dma_start3A_804 : memref<1x8x1024xf32, #tpu.memory_space<hbm>> -> memref<8x1024xf32, #tpu.memory_space<hbm>>
      %dma_start3A_806 = arith.constant 0 : i32
      %dma_start3A_807 = arith.constant 0 : i32
      %dma_start3A_808 = tpu.memref_slice %arg12[%dma_start3A_795, %dma_start3A_806, %dma_start3A_807] : memref<8x8x1024xf32, #tpu.memory_space<vmem>> -> memref<1x8x1024xf32, #tpu.memory_space<vmem>>
      %dma_start3A_809 = tpu.memref_squeeze %dma_start3A_808 : memref<1x8x1024xf32, #tpu.memory_space<vmem>> -> memref<8x1024xf32, #tpu.memory_space<vmem>>
      tpu.enqueue_dma source(%dma_start3A_809 : memref<8x1024xf32, #tpu.memory_space<vmem>>) target(%dma_start3A_805 : memref<8x1024xf32, #tpu.memory_space<hbm>>) target_semaphore(%arg29 : memref<!tpu.dma_semaphore, #tpu.memory_space<semaphore_mem>>)
      %dma_wait3A_810 = arith.constant 3 : i32
      %dma_wait3A_811 = arith.constant 0 : i32
      %dma_wait3A_812 = arith.constant 0 : i32
      %dma_wait3A_813 = arith.constant 0 : i32
      %dma_wait3A_814 = tpu.memref_slice %arg12[%dma_wait3A_810, %dma_wait3A_812, %dma_wait3A_813] : memref<8x8x1024xf32, #tpu.memory_space<vmem>> -> memref<1x8x1024xf32, #tpu.memory_space<vmem>>
      %dma_wait3A_815 = tpu.memref_squeeze %dma_wait3A_814 : memref<1x8x1024xf32, #tpu.memory_space<vmem>> -> memref<8x1024xf32, #tpu.memory_space<vmem>>
      %dma_wait3A_816 = arith.constant 0 : i32
      %dma_wait3A_817 = arith.constant 0 : i32
      %dma_wait3A_818 = tpu.memref_slice %arg6[%dma_wait3A_811, %dma_wait3A_816, %dma_wait3A_817] : memref<4x4096x1024xf32, #tpu.memory_space<hbm>> -> memref<1x8x1024xf32, #tpu.memory_space<hbm>>
      %dma_wait3A_819 = tpu.memref_squeeze %dma_wait3A_818 : memref<1x8x1024xf32, #tpu.memory_space<hbm>> -> memref<8x1024xf32, #tpu.memory_space<hbm>>
      %dma_wait3A_820 = arith.constant 0 : i32
      %dma_wait3A_821 = arith.constant 0 : i32
      %dma_wait3A_822 = tpu.memref_slice %arg6[%dma_wait3A_811, %dma_wait3A_820, %dma_wait3A_821] : memref<4x4096x1024xf32, #tpu.memory_space<hbm>> -> memref<1x8x1024xf32, #tpu.memory_space<hbm>>
      %dma_wait3A_823 = tpu.memref_squeeze %dma_wait3A_822 : memref<1x8x1024xf32, #tpu.memory_space<hbm>> -> memref<8x1024xf32, #tpu.memory_space<hbm>>
      %dma_wait3A_824 = arith.constant 0 : i32
      %dma_wait3A_825 = arith.constant 0 : i32
      %dma_wait3A_826 = tpu.memref_slice %arg12[%dma_wait3A_810, %dma_wait3A_824, %dma_wait3A_825] : memref<8x8x1024xf32, #tpu.memory_space<vmem>> -> memref<1x8x1024xf32, #tpu.memory_space<vmem>>
      %dma_wait3A_827 = tpu.memref_squeeze %dma_wait3A_826 : memref<1x8x1024xf32, #tpu.memory_space<vmem>> -> memref<8x1024xf32, #tpu.memory_space<vmem>>
      tpu.wait_dma2 semaphore(%arg25 : memref<!tpu.dma_semaphore, #tpu.memory_space<semaphore_mem>>) src(%dma_wait3A_827 : memref<8x1024xf32, #tpu.memory_space<vmem>>) dst(%dma_wait3A_823 : memref<8x1024xf32, #tpu.memory_space<hbm>>)
      %add3A_828 = arith.constant 4 : i32
      %add3A_829 = arith.addi %add3A_776, %add3A_828 : i32
      %mul3A_830 = arith.constant 8 : i32
      %mul3A_831 = arith.muli %add3A_829, %mul3A_830 : i32
      %dma_start3A_832 = arith.constant 3 : i32
      %dma_start3A_833 = arith.constant 0 : i32
      %dma_start3A_834 = arith.constant 0 : i32
      %dma_start3A_835 = tpu.memref_slice %arg12[%dma_start3A_832, %dma_start3A_833, %dma_start3A_834] : memref<8x8x1024xf32, #tpu.memory_space<vmem>> -> memref<1x8x1024xf32, #tpu.memory_space<vmem>>
      %dma_start3A_836 = tpu.memref_squeeze %dma_start3A_835 : memref<1x8x1024xf32, #tpu.memory_space<vmem>> -> memref<8x1024xf32, #tpu.memory_space<vmem>>
      %dma_start3A_837 = tpu.memref_slice %arg9[%mul3A_831] : memref<512xi32, #tpu.memory_space<vmem>> -> memref<8xi32, #tpu.memory_space<vmem>>
      %dma_start3A_838 = arith.constant 0 : i32
      %dma_start3A_839 = arith.constant 0 : i32
      %dma_start3A_840 = tpu.memref_slice %arg5[%dma_start3A_838, %dma_start3A_839] : memref<100000x1024xf32, #tpu.memory_space<hbm>> -> memref<100000x1024xf32, #tpu.memory_space<hbm>>
      tpu.enqueue_indirect_dma source(%dma_start3A_840 : memref<100000x1024xf32, #tpu.memory_space<hbm>>) target(%dma_start3A_836 : memref<8x1024xf32, #tpu.memory_space<vmem>>) offsets(%dma_start3A_837 : memref<8xi32, #tpu.memory_space<vmem>>) semaphore(%arg17 : memref<!tpu.dma_semaphore, #tpu.memory_space<semaphore_mem>>)
      %mul3A_841 = arith.constant 8 : i32
      %mul3A_842 = arith.muli %mul3A_841, %scan3A_560 : i32
      %add3A_843 = arith.constant 4 : i32
      %add3A_844 = arith.addi %mul3A_842, %add3A_843 : i32
      %add3A_845 = arith.constant 4 : i32
      %add3A_846 = arith.addi %add3A_844, %add3A_845 : i32
      %dma_wait3A_847 = arith.constant 0 : i32
      %dma_wait3A_848 = arith.constant 0 : i32
      %dma_wait3A_849 = arith.constant 0 : i32
      %dma_wait3A_850 = tpu.memref_slice %arg12[%dma_wait3A_847, %dma_wait3A_848, %dma_wait3A_849] : memref<8x8x1024xf32, #tpu.memory_space<vmem>> -> memref<1x8x1024xf32, #tpu.memory_space<vmem>>
      %dma_wait3A_851 = tpu.memref_squeeze %dma_wait3A_850 : memref<1x8x1024xf32, #tpu.memory_space<vmem>> -> memref<8x1024xf32, #tpu.memory_space<vmem>>
      %dma_wait3A_852 = arith.constant 0 : i32
      %dma_wait3A_853 = arith.constant 0 : i32
      %dma_wait3A_854 = tpu.memref_slice %arg5[%dma_wait3A_852, %dma_wait3A_853] : memref<100000x1024xf32, #tpu.memory_space<hbm>> -> memref<8x1024xf32, #tpu.memory_space<hbm>>
      %dma_wait3A_855 = arith.constant 0 : i32
      %dma_wait3A_856 = arith.constant 0 : i32
      %dma_wait3A_857 = tpu.memref_slice %arg12[%dma_wait3A_847, %dma_wait3A_855, %dma_wait3A_856] : memref<8x8x1024xf32, #tpu.memory_space<vmem>> -> memref<1x8x1024xf32, #tpu.memory_space<vmem>>
      %dma_wait3A_858 = tpu.memref_squeeze %dma_wait3A_857 : memref<1x8x1024xf32, #tpu.memory_space<vmem>> -> memref<8x1024xf32, #tpu.memory_space<vmem>>
      %dma_wait3A_859 = arith.constant 0 : i32
      %dma_wait3A_860 = arith.constant 0 : i32
      %dma_wait3A_861 = tpu.memref_slice %arg5[%dma_wait3A_859, %dma_wait3A_860] : memref<100000x1024xf32, #tpu.memory_space<hbm>> -> memref<8x1024xf32, #tpu.memory_space<hbm>>
      tpu.wait_dma2 semaphore(%arg14 : memref<!tpu.dma_semaphore, #tpu.memory_space<semaphore_mem>>) src(%dma_wait3A_861 : memref<8x1024xf32, #tpu.memory_space<hbm>>) dst(%dma_wait3A_858 : memref<8x1024xf32, #tpu.memory_space<vmem>>)
      %mul3A_862 = arith.constant 8 : i32
      %mul3A_863 = arith.muli %add3A_846, %mul3A_862 : i32
      %add3A_864 = arith.addi %mul3A_32, %mul3A_863 : i32
      %dma_start3A_865 = arith.constant 0 : i32
      %dma_start3A_866 = arith.constant 0 : i32
      %dma_start3A_867 = arith.constant 0 : i32
      %dma_start3A_868 = tpu.memref_slice %arg12[%dma_start3A_865, %dma_start3A_866, %dma_start3A_867] : memref<8x8x1024xf32, #tpu.memory_space<vmem>> -> memref<1x8x1024xf32, #tpu.memory_space<vmem>>
      %dma_start3A_869 = tpu.memref_squeeze %dma_start3A_868 : memref<1x8x1024xf32, #tpu.memory_space<vmem>> -> memref<8x1024xf32, #tpu.memory_space<vmem>>
      %dma_start3A_870 = arith.constant 0 : i32
      %dma_start3A_871 = tpu.memref_slice %arg6[%select_n3A, %add3A_864, %dma_start3A_870] : memref<4x4096x1024xf32, #tpu.memory_space<hbm>> -> memref<1x8x1024xf32, #tpu.memory_space<hbm>>
      %dma_start3A_872 = tpu.memref_squeeze %dma_start3A_871 : memref<1x8x1024xf32, #tpu.memory_space<hbm>> -> memref<8x1024xf32, #tpu.memory_space<hbm>>
      %dma_start3A_873 = arith.constant 0 : i32
      %dma_start3A_874 = tpu.memref_slice %arg6[%select_n3A, %add3A_864, %dma_start3A_873] : memref<4x4096x1024xf32, #tpu.memory_space<hbm>> -> memref<1x8x1024xf32, #tpu.memory_space<hbm>>
      %dma_start3A_875 = tpu.memref_squeeze %dma_start3A_874 : memref<1x8x1024xf32, #tpu.memory_space<hbm>> -> memref<8x1024xf32, #tpu.memory_space<hbm>>
      %dma_start3A_876 = arith.constant 0 : i32
      %dma_start3A_877 = arith.constant 0 : i32
      %dma_start3A_878 = tpu.memref_slice %arg12[%dma_start3A_865, %dma_start3A_876, %dma_start3A_877] : memref<8x8x1024xf32, #tpu.memory_space<vmem>> -> memref<1x8x1024xf32, #tpu.memory_space<vmem>>
      %dma_start3A_879 = tpu.memref_squeeze %dma_start3A_878 : memref<1x8x1024xf32, #tpu.memory_space<vmem>> -> memref<8x1024xf32, #tpu.memory_space<vmem>>
      tpu.enqueue_dma source(%dma_start3A_879 : memref<8x1024xf32, #tpu.memory_space<vmem>>) target(%dma_start3A_875 : memref<8x1024xf32, #tpu.memory_space<hbm>>) target_semaphore(%arg22 : memref<!tpu.dma_semaphore, #tpu.memory_space<semaphore_mem>>)
      %dma_wait3A_880 = arith.constant 4 : i32
      %dma_wait3A_881 = arith.constant 0 : i32
      %dma_wait3A_882 = arith.constant 0 : i32
      %dma_wait3A_883 = arith.constant 0 : i32
      %dma_wait3A_884 = tpu.memref_slice %arg12[%dma_wait3A_880, %dma_wait3A_882, %dma_wait3A_883] : memref<8x8x1024xf32, #tpu.memory_space<vmem>> -> memref<1x8x1024xf32, #tpu.memory_space<vmem>>
      %dma_wait3A_885 = tpu.memref_squeeze %dma_wait3A_884 : memref<1x8x1024xf32, #tpu.memory_space<vmem>> -> memref<8x1024xf32, #tpu.memory_space<vmem>>
      %dma_wait3A_886 = arith.constant 0 : i32
      %dma_wait3A_887 = arith.constant 0 : i32
      %dma_wait3A_888 = tpu.memref_slice %arg6[%dma_wait3A_881, %dma_wait3A_886, %dma_wait3A_887] : memref<4x4096x1024xf32, #tpu.memory_space<hbm>> -> memref<1x8x1024xf32, #tpu.memory_space<hbm>>
      %dma_wait3A_889 = tpu.memref_squeeze %dma_wait3A_888 : memref<1x8x1024xf32, #tpu.memory_space<hbm>> -> memref<8x1024xf32, #tpu.memory_space<hbm>>
      %dma_wait3A_890 = arith.constant 0 : i32
      %dma_wait3A_891 = arith.constant 0 : i32
      %dma_wait3A_892 = tpu.memref_slice %arg6[%dma_wait3A_881, %dma_wait3A_890, %dma_wait3A_891] : memref<4x4096x1024xf32, #tpu.memory_space<hbm>> -> memref<1x8x1024xf32, #tpu.memory_space<hbm>>
      %dma_wait3A_893 = tpu.memref_squeeze %dma_wait3A_892 : memref<1x8x1024xf32, #tpu.memory_space<hbm>> -> memref<8x1024xf32, #tpu.memory_space<hbm>>
      %dma_wait3A_894 = arith.constant 0 : i32
      %dma_wait3A_895 = arith.constant 0 : i32
      %dma_wait3A_896 = tpu.memref_slice %arg12[%dma_wait3A_880, %dma_wait3A_894, %dma_wait3A_895] : memref<8x8x1024xf32, #tpu.memory_space<vmem>> -> memref<1x8x1024xf32, #tpu.memory_space<vmem>>
      %dma_wait3A_897 = tpu.memref_squeeze %dma_wait3A_896 : memref<1x8x1024xf32, #tpu.memory_space<vmem>> -> memref<8x1024xf32, #tpu.memory_space<vmem>>
      tpu.wait_dma2 semaphore(%arg26 : memref<!tpu.dma_semaphore, #tpu.memory_space<semaphore_mem>>) src(%dma_wait3A_897 : memref<8x1024xf32, #tpu.memory_space<vmem>>) dst(%dma_wait3A_893 : memref<8x1024xf32, #tpu.memory_space<hbm>>)
      %add3A_898 = arith.constant 4 : i32
      %add3A_899 = arith.addi %add3A_846, %add3A_898 : i32
      %mul3A_900 = arith.constant 8 : i32
      %mul3A_901 = arith.muli %add3A_899, %mul3A_900 : i32
      %dma_start3A_902 = arith.constant 4 : i32
      %dma_start3A_903 = arith.constant 0 : i32
      %dma_start3A_904 = arith.constant 0 : i32
      %dma_start3A_905 = tpu.memref_slice %arg12[%dma_start3A_902, %dma_start3A_903, %dma_start3A_904] : memref<8x8x1024xf32, #tpu.memory_space<vmem>> -> memref<1x8x1024xf32, #tpu.memory_space<vmem>>
      %dma_start3A_906 = tpu.memref_squeeze %dma_start3A_905 : memref<1x8x1024xf32, #tpu.memory_space<vmem>> -> memref<8x1024xf32, #tpu.memory_space<vmem>>
      %dma_start3A_907 = tpu.memref_slice %arg9[%mul3A_901] : memref<512xi32, #tpu.memory_space<vmem>> -> memref<8xi32, #tpu.memory_space<vmem>>
      %dma_start3A_908 = arith.constant 0 : i32
      %dma_start3A_909 = arith.constant 0 : i32
      %dma_start3A_910 = tpu.memref_slice %arg5[%dma_start3A_908, %dma_start3A_909] : memref<100000x1024xf32, #tpu.memory_space<hbm>> -> memref<100000x1024xf32, #tpu.memory_space<hbm>>
      tpu.enqueue_indirect_dma source(%dma_start3A_910 : memref<100000x1024xf32, #tpu.memory_space<hbm>>) target(%dma_start3A_906 : memref<8x1024xf32, #tpu.memory_space<vmem>>) offsets(%dma_start3A_907 : memref<8xi32, #tpu.memory_space<vmem>>) semaphore(%arg18 : memref<!tpu.dma_semaphore, #tpu.memory_space<semaphore_mem>>)
      %mul3A_911 = arith.constant 8 : i32
      %mul3A_912 = arith.muli %mul3A_911, %scan3A_560 : i32
      %add3A_913 = arith.constant 5 : i32
      %add3A_914 = arith.addi %mul3A_912, %add3A_913 : i32
      %add3A_915 = arith.constant 4 : i32
      %add3A_916 = arith.addi %add3A_914, %add3A_915 : i32
      %dma_wait3A_917 = arith.constant 1 : i32
      %dma_wait3A_918 = arith.constant 0 : i32
      %dma_wait3A_919 = arith.constant 0 : i32
      %dma_wait3A_920 = tpu.memref_slice %arg12[%dma_wait3A_917, %dma_wait3A_918, %dma_wait3A_919] : memref<8x8x1024xf32, #tpu.memory_space<vmem>> -> memref<1x8x1024xf32, #tpu.memory_space<vmem>>
      %dma_wait3A_921 = tpu.memref_squeeze %dma_wait3A_920 : memref<1x8x1024xf32, #tpu.memory_space<vmem>> -> memref<8x1024xf32, #tpu.memory_space<vmem>>
      %dma_wait3A_922 = arith.constant 0 : i32
      %dma_wait3A_923 = arith.constant 0 : i32
      %dma_wait3A_924 = tpu.memref_slice %arg5[%dma_wait3A_922, %dma_wait3A_923] : memref<100000x1024xf32, #tpu.memory_space<hbm>> -> memref<8x1024xf32, #tpu.memory_space<hbm>>
      %dma_wait3A_925 = arith.constant 0 : i32
      %dma_wait3A_926 = arith.constant 0 : i32
      %dma_wait3A_927 = tpu.memref_slice %arg12[%dma_wait3A_917, %dma_wait3A_925, %dma_wait3A_926] : memref<8x8x1024xf32, #tpu.memory_space<vmem>> -> memref<1x8x1024xf32, #tpu.memory_space<vmem>>
      %dma_wait3A_928 = tpu.memref_squeeze %dma_wait3A_927 : memref<1x8x1024xf32, #tpu.memory_space<vmem>> -> memref<8x1024xf32, #tpu.memory_space<vmem>>
      %dma_wait3A_929 = arith.constant 0 : i32
      %dma_wait3A_930 = arith.constant 0 : i32
      %dma_wait3A_931 = tpu.memref_slice %arg5[%dma_wait3A_929, %dma_wait3A_930] : memref<100000x1024xf32, #tpu.memory_space<hbm>> -> memref<8x1024xf32, #tpu.memory_space<hbm>>
      tpu.wait_dma2 semaphore(%arg15 : memref<!tpu.dma_semaphore, #tpu.memory_space<semaphore_mem>>) src(%dma_wait3A_931 : memref<8x1024xf32, #tpu.memory_space<hbm>>) dst(%dma_wait3A_928 : memref<8x1024xf32, #tpu.memory_space<vmem>>)
      %mul3A_932 = arith.constant 8 : i32
      %mul3A_933 = arith.muli %add3A_916, %mul3A_932 : i32
      %add3A_934 = arith.addi %mul3A_32, %mul3A_933 : i32
      %dma_start3A_935 = arith.constant 1 : i32
      %dma_start3A_936 = arith.constant 0 : i32
      %dma_start3A_937 = arith.constant 0 : i32
      %dma_start3A_938 = tpu.memref_slice %arg12[%dma_start3A_935, %dma_start3A_936, %dma_start3A_937] : memref<8x8x1024xf32, #tpu.memory_space<vmem>> -> memref<1x8x1024xf32, #tpu.memory_space<vmem>>
      %dma_start3A_939 = tpu.memref_squeeze %dma_start3A_938 : memref<1x8x1024xf32, #tpu.memory_space<vmem>> -> memref<8x1024xf32, #tpu.memory_space<vmem>>
      %dma_start3A_940 = arith.constant 0 : i32
      %dma_start3A_941 = tpu.memref_slice %arg6[%select_n3A, %add3A_934, %dma_start3A_940] : memref<4x4096x1024xf32, #tpu.memory_space<hbm>> -> memref<1x8x1024xf32, #tpu.memory_space<hbm>>
      %dma_start3A_942 = tpu.memref_squeeze %dma_start3A_941 : memref<1x8x1024xf32, #tpu.memory_space<hbm>> -> memref<8x1024xf32, #tpu.memory_space<hbm>>
      %dma_start3A_943 = arith.constant 0 : i32
      %dma_start3A_944 = tpu.memref_slice %arg6[%select_n3A, %add3A_934, %dma_start3A_943] : memref<4x4096x1024xf32, #tpu.memory_space<hbm>> -> memref<1x8x1024xf32, #tpu.memory_space<hbm>>
      %dma_start3A_945 = tpu.memref_squeeze %dma_start3A_944 : memref<1x8x1024xf32, #tpu.memory_space<hbm>> -> memref<8x1024xf32, #tpu.memory_space<hbm>>
      %dma_start3A_946 = arith.constant 0 : i32
      %dma_start3A_947 = arith.constant 0 : i32
      %dma_start3A_948 = tpu.memref_slice %arg12[%dma_start3A_935, %dma_start3A_946, %dma_start3A_947] : memref<8x8x1024xf32, #tpu.memory_space<vmem>> -> memref<1x8x1024xf32, #tpu.memory_space<vmem>>
      %dma_start3A_949 = tpu.memref_squeeze %dma_start3A_948 : memref<1x8x1024xf32, #tpu.memory_space<vmem>> -> memref<8x1024xf32, #tpu.memory_space<vmem>>
      tpu.enqueue_dma source(%dma_start3A_949 : memref<8x1024xf32, #tpu.memory_space<vmem>>) target(%dma_start3A_945 : memref<8x1024xf32, #tpu.memory_space<hbm>>) target_semaphore(%arg23 : memref<!tpu.dma_semaphore, #tpu.memory_space<semaphore_mem>>)
      %dma_wait3A_950 = arith.constant 5 : i32
      %dma_wait3A_951 = arith.constant 0 : i32
      %dma_wait3A_952 = arith.constant 0 : i32
      %dma_wait3A_953 = arith.constant 0 : i32
      %dma_wait3A_954 = tpu.memref_slice %arg12[%dma_wait3A_950, %dma_wait3A_952, %dma_wait3A_953] : memref<8x8x1024xf32, #tpu.memory_space<vmem>> -> memref<1x8x1024xf32, #tpu.memory_space<vmem>>
      %dma_wait3A_955 = tpu.memref_squeeze %dma_wait3A_954 : memref<1x8x1024xf32, #tpu.memory_space<vmem>> -> memref<8x1024xf32, #tpu.memory_space<vmem>>
      %dma_wait3A_956 = arith.constant 0 : i32
      %dma_wait3A_957 = arith.constant 0 : i32
      %dma_wait3A_958 = tpu.memref_slice %arg6[%dma_wait3A_951, %dma_wait3A_956, %dma_wait3A_957] : memref<4x4096x1024xf32, #tpu.memory_space<hbm>> -> memref<1x8x1024xf32, #tpu.memory_space<hbm>>
      %dma_wait3A_959 = tpu.memref_squeeze %dma_wait3A_958 : memref<1x8x1024xf32, #tpu.memory_space<hbm>> -> memref<8x1024xf32, #tpu.memory_space<hbm>>
      %dma_wait3A_960 = arith.constant 0 : i32
      %dma_wait3A_961 = arith.constant 0 : i32
      %dma_wait3A_962 = tpu.memref_slice %arg6[%dma_wait3A_951, %dma_wait3A_960, %dma_wait3A_961] : memref<4x4096x1024xf32, #tpu.memory_space<hbm>> -> memref<1x8x1024xf32, #tpu.memory_space<hbm>>
      %dma_wait3A_963 = tpu.memref_squeeze %dma_wait3A_962 : memref<1x8x1024xf32, #tpu.memory_space<hbm>> -> memref<8x1024xf32, #tpu.memory_space<hbm>>
      %dma_wait3A_964 = arith.constant 0 : i32
      %dma_wait3A_965 = arith.constant 0 : i32
      %dma_wait3A_966 = tpu.memref_slice %arg12[%dma_wait3A_950, %dma_wait3A_964, %dma_wait3A_965] : memref<8x8x1024xf32, #tpu.memory_space<vmem>> -> memref<1x8x1024xf32, #tpu.memory_space<vmem>>
      %dma_wait3A_967 = tpu.memref_squeeze %dma_wait3A_966 : memref<1x8x1024xf32, #tpu.memory_space<vmem>> -> memref<8x1024xf32, #tpu.memory_space<vmem>>
      tpu.wait_dma2 semaphore(%arg27 : memref<!tpu.dma_semaphore, #tpu.memory_space<semaphore_mem>>) src(%dma_wait3A_967 : memref<8x1024xf32, #tpu.memory_space<vmem>>) dst(%dma_wait3A_963 : memref<8x1024xf32, #tpu.memory_space<hbm>>)
      %add3A_968 = arith.constant 4 : i32
      %add3A_969 = arith.addi %add3A_916, %add3A_968 : i32
      %mul3A_970 = arith.constant 8 : i32
      %mul3A_971 = arith.muli %add3A_969, %mul3A_970 : i32
      %dma_start3A_972 = arith.constant 5 : i32
      %dma_start3A_973 = arith.constant 0 : i32
      %dma_start3A_974 = arith.constant 0 : i32
      %dma_start3A_975 = tpu.memref_slice %arg12[%dma_start3A_972, %dma_start3A_973, %dma_start3A_974] : memref<8x8x1024xf32, #tpu.memory_space<vmem>> -> memref<1x8x1024xf32, #tpu.memory_space<vmem>>
      %dma_start3A_976 = tpu.memref_squeeze %dma_start3A_975 : memref<1x8x1024xf32, #tpu.memory_space<vmem>> -> memref<8x1024xf32, #tpu.memory_space<vmem>>
      %dma_start3A_977 = tpu.memref_slice %arg9[%mul3A_971] : memref<512xi32, #tpu.memory_space<vmem>> -> memref<8xi32, #tpu.memory_space<vmem>>
      %dma_start3A_978 = arith.constant 0 : i32
      %dma_start3A_979 = arith.constant 0 : i32
      %dma_start3A_980 = tpu.memref_slice %arg5[%dma_start3A_978, %dma_start3A_979] : memref<100000x1024xf32, #tpu.memory_space<hbm>> -> memref<100000x1024xf32, #tpu.memory_space<hbm>>
      tpu.enqueue_indirect_dma source(%dma_start3A_980 : memref<100000x1024xf32, #tpu.memory_space<hbm>>) target(%dma_start3A_976 : memref<8x1024xf32, #tpu.memory_space<vmem>>) offsets(%dma_start3A_977 : memref<8xi32, #tpu.memory_space<vmem>>) semaphore(%arg19 : memref<!tpu.dma_semaphore, #tpu.memory_space<semaphore_mem>>)
      %mul3A_981 = arith.constant 8 : i32
      %mul3A_982 = arith.muli %mul3A_981, %scan3A_560 : i32
      %add3A_983 = arith.constant 6 : i32
      %add3A_984 = arith.addi %mul3A_982, %add3A_983 : i32
      %add3A_985 = arith.constant 4 : i32
      %add3A_986 = arith.addi %add3A_984, %add3A_985 : i32
      %dma_wait3A_987 = arith.constant 2 : i32
      %dma_wait3A_988 = arith.constant 0 : i32
      %dma_wait3A_989 = arith.constant 0 : i32
      %dma_wait3A_990 = tpu.memref_slice %arg12[%dma_wait3A_987, %dma_wait3A_988, %dma_wait3A_989] : memref<8x8x1024xf32, #tpu.memory_space<vmem>> -> memref<1x8x1024xf32, #tpu.memory_space<vmem>>
      %dma_wait3A_991 = tpu.memref_squeeze %dma_wait3A_990 : memref<1x8x1024xf32, #tpu.memory_space<vmem>> -> memref<8x1024xf32, #tpu.memory_space<vmem>>
      %dma_wait3A_992 = arith.constant 0 : i32
      %dma_wait3A_993 = arith.constant 0 : i32
      %dma_wait3A_994 = tpu.memref_slice %arg5[%dma_wait3A_992, %dma_wait3A_993] : memref<100000x1024xf32, #tpu.memory_space<hbm>> -> memref<8x1024xf32, #tpu.memory_space<hbm>>
      %dma_wait3A_995 = arith.constant 0 : i32
      %dma_wait3A_996 = arith.constant 0 : i32
      %dma_wait3A_997 = tpu.memref_slice %arg12[%dma_wait3A_987, %dma_wait3A_995, %dma_wait3A_996] : memref<8x8x1024xf32, #tpu.memory_space<vmem>> -> memref<1x8x1024xf32, #tpu.memory_space<vmem>>
      %dma_wait3A_998 = tpu.memref_squeeze %dma_wait3A_997 : memref<1x8x1024xf32, #tpu.memory_space<vmem>> -> memref<8x1024xf32, #tpu.memory_space<vmem>>
      %dma_wait3A_999 = arith.constant 0 : i32
      %dma_wait3A_1000 = arith.constant 0 : i32
      %dma_wait3A_1001 = tpu.memref_slice %arg5[%dma_wait3A_999, %dma_wait3A_1000] : memref<100000x1024xf32, #tpu.memory_space<hbm>> -> memref<8x1024xf32, #tpu.memory_space<hbm>>
      tpu.wait_dma2 semaphore(%arg16 : memref<!tpu.dma_semaphore, #tpu.memory_space<semaphore_mem>>) src(%dma_wait3A_1001 : memref<8x1024xf32, #tpu.memory_space<hbm>>) dst(%dma_wait3A_998 : memref<8x1024xf32, #tpu.memory_space<vmem>>)
      %mul3A_1002 = arith.constant 8 : i32
      %mul3A_1003 = arith.muli %add3A_986, %mul3A_1002 : i32
      %add3A_1004 = arith.addi %mul3A_32, %mul3A_1003 : i32
      %dma_start3A_1005 = arith.constant 2 : i32
      %dma_start3A_1006 = arith.constant 0 : i32
      %dma_start3A_1007 = arith.constant 0 : i32
      %dma_start3A_1008 = tpu.memref_slice %arg12[%dma_start3A_1005, %dma_start3A_1006, %dma_start3A_1007] : memref<8x8x1024xf32, #tpu.memory_space<vmem>> -> memref<1x8x1024xf32, #tpu.memory_space<vmem>>
      %dma_start3A_1009 = tpu.memref_squeeze %dma_start3A_1008 : memref<1x8x1024xf32, #tpu.memory_space<vmem>> -> memref<8x1024xf32, #tpu.memory_space<vmem>>
      %dma_start3A_1010 = arith.constant 0 : i32
      %dma_start3A_1011 = tpu.memref_slice %arg6[%select_n3A, %add3A_1004, %dma_start3A_1010] : memref<4x4096x1024xf32, #tpu.memory_space<hbm>> -> memref<1x8x1024xf32, #tpu.memory_space<hbm>>
      %dma_start3A_1012 = tpu.memref_squeeze %dma_start3A_1011 : memref<1x8x1024xf32, #tpu.memory_space<hbm>> -> memref<8x1024xf32, #tpu.memory_space<hbm>>
      %dma_start3A_1013 = arith.constant 0 : i32
      %dma_start3A_1014 = tpu.memref_slice %arg6[%select_n3A, %add3A_1004, %dma_start3A_1013] : memref<4x4096x1024xf32, #tpu.memory_space<hbm>> -> memref<1x8x1024xf32, #tpu.memory_space<hbm>>
      %dma_start3A_1015 = tpu.memref_squeeze %dma_start3A_1014 : memref<1x8x1024xf32, #tpu.memory_space<hbm>> -> memref<8x1024xf32, #tpu.memory_space<hbm>>
      %dma_start3A_1016 = arith.constant 0 : i32
      %dma_start3A_1017 = arith.constant 0 : i32
      %dma_start3A_1018 = tpu.memref_slice %arg12[%dma_start3A_1005, %dma_start3A_1016, %dma_start3A_1017] : memref<8x8x1024xf32, #tpu.memory_space<vmem>> -> memref<1x8x1024xf32, #tpu.memory_space<vmem>>
      %dma_start3A_1019 = tpu.memref_squeeze %dma_start3A_1018 : memref<1x8x1024xf32, #tpu.memory_space<vmem>> -> memref<8x1024xf32, #tpu.memory_space<vmem>>
      tpu.enqueue_dma source(%dma_start3A_1019 : memref<8x1024xf32, #tpu.memory_space<vmem>>) target(%dma_start3A_1015 : memref<8x1024xf32, #tpu.memory_space<hbm>>) target_semaphore(%arg24 : memref<!tpu.dma_semaphore, #tpu.memory_space<semaphore_mem>>)
      %dma_wait3A_1020 = arith.constant 6 : i32
      %dma_wait3A_1021 = arith.constant 0 : i32
      %dma_wait3A_1022 = arith.constant 0 : i32
      %dma_wait3A_1023 = arith.constant 0 : i32
      %dma_wait3A_1024 = tpu.memref_slice %arg12[%dma_wait3A_1020, %dma_wait3A_1022, %dma_wait3A_1023] : memref<8x8x1024xf32, #tpu.memory_space<vmem>> -> memref<1x8x1024xf32, #tpu.memory_space<vmem>>
      %dma_wait3A_1025 = tpu.memref_squeeze %dma_wait3A_1024 : memref<1x8x1024xf32, #tpu.memory_space<vmem>> -> memref<8x1024xf32, #tpu.memory_space<vmem>>
      %dma_wait3A_1026 = arith.constant 0 : i32
      %dma_wait3A_1027 = arith.constant 0 : i32
      %dma_wait3A_1028 = tpu.memref_slice %arg6[%dma_wait3A_1021, %dma_wait3A_1026, %dma_wait3A_1027] : memref<4x4096x1024xf32, #tpu.memory_space<hbm>> -> memref<1x8x1024xf32, #tpu.memory_space<hbm>>
      %dma_wait3A_1029 = tpu.memref_squeeze %dma_wait3A_1028 : memref<1x8x1024xf32, #tpu.memory_space<hbm>> -> memref<8x1024xf32, #tpu.memory_space<hbm>>
      %dma_wait3A_1030 = arith.constant 0 : i32
      %dma_wait3A_1031 = arith.constant 0 : i32
      %dma_wait3A_1032 = tpu.memref_slice %arg6[%dma_wait3A_1021, %dma_wait3A_1030, %dma_wait3A_1031] : memref<4x4096x1024xf32, #tpu.memory_space<hbm>> -> memref<1x8x1024xf32, #tpu.memory_space<hbm>>
      %dma_wait3A_1033 = tpu.memref_squeeze %dma_wait3A_1032 : memref<1x8x1024xf32, #tpu.memory_space<hbm>> -> memref<8x1024xf32, #tpu.memory_space<hbm>>
      %dma_wait3A_1034 = arith.constant 0 : i32
      %dma_wait3A_1035 = arith.constant 0 : i32
      %dma_wait3A_1036 = tpu.memref_slice %arg12[%dma_wait3A_1020, %dma_wait3A_1034, %dma_wait3A_1035] : memref<8x8x1024xf32, #tpu.memory_space<vmem>> -> memref<1x8x1024xf32, #tpu.memory_space<vmem>>
      %dma_wait3A_1037 = tpu.memref_squeeze %dma_wait3A_1036 : memref<1x8x1024xf32, #tpu.memory_space<vmem>> -> memref<8x1024xf32, #tpu.memory_space<vmem>>
      tpu.wait_dma2 semaphore(%arg28 : memref<!tpu.dma_semaphore, #tpu.memory_space<semaphore_mem>>) src(%dma_wait3A_1037 : memref<8x1024xf32, #tpu.memory_space<vmem>>) dst(%dma_wait3A_1033 : memref<8x1024xf32, #tpu.memory_space<hbm>>)
      %add3A_1038 = arith.constant 4 : i32
      %add3A_1039 = arith.addi %add3A_986, %add3A_1038 : i32
      %mul3A_1040 = arith.constant 8 : i32
      %mul3A_1041 = arith.muli %add3A_1039, %mul3A_1040 : i32
      %dma_start3A_1042 = arith.constant 6 : i32
      %dma_start3A_1043 = arith.constant 0 : i32
      %dma_start3A_1044 = arith.constant 0 : i32
      %dma_start3A_1045 = tpu.memref_slice %arg12[%dma_start3A_1042, %dma_start3A_1043, %dma_start3A_1044] : memref<8x8x1024xf32, #tpu.memory_space<vmem>> -> memref<1x8x1024xf32, #tpu.memory_space<vmem>>
      %dma_start3A_1046 = tpu.memref_squeeze %dma_start3A_1045 : memref<1x8x1024xf32, #tpu.memory_space<vmem>> -> memref<8x1024xf32, #tpu.memory_space<vmem>>
      %dma_start3A_1047 = tpu.memref_slice %arg9[%mul3A_1041] : memref<512xi32, #tpu.memory_space<vmem>> -> memref<8xi32, #tpu.memory_space<vmem>>
      %dma_start3A_1048 = arith.constant 0 : i32
      %dma_start3A_1049 = arith.constant 0 : i32
      %dma_start3A_1050 = tpu.memref_slice %arg5[%dma_start3A_1048, %dma_start3A_1049] : memref<100000x1024xf32, #tpu.memory_space<hbm>> -> memref<100000x1024xf32, #tpu.memory_space<hbm>>
      tpu.enqueue_indirect_dma source(%dma_start3A_1050 : memref<100000x1024xf32, #tpu.memory_space<hbm>>) target(%dma_start3A_1046 : memref<8x1024xf32, #tpu.memory_space<vmem>>) offsets(%dma_start3A_1047 : memref<8xi32, #tpu.memory_space<vmem>>) semaphore(%arg20 : memref<!tpu.dma_semaphore, #tpu.memory_space<semaphore_mem>>)
      %mul3A_1051 = arith.constant 8 : i32
      %mul3A_1052 = arith.muli %mul3A_1051, %scan3A_560 : i32
      %add3A_1053 = arith.constant 7 : i32
      %add3A_1054 = arith.addi %mul3A_1052, %add3A_1053 : i32
      %add3A_1055 = arith.constant 4 : i32
      %add3A_1056 = arith.addi %add3A_1054, %add3A_1055 : i32
      %dma_wait3A_1057 = arith.constant 3 : i32
      %dma_wait3A_1058 = arith.constant 0 : i32
      %dma_wait3A_1059 = arith.constant 0 : i32
      %dma_wait3A_1060 = tpu.memref_slice %arg12[%dma_wait3A_1057, %dma_wait3A_1058, %dma_wait3A_1059] : memref<8x8x1024xf32, #tpu.memory_space<vmem>> -> memref<1x8x1024xf32, #tpu.memory_space<vmem>>
      %dma_wait3A_1061 = tpu.memref_squeeze %dma_wait3A_1060 : memref<1x8x1024xf32, #tpu.memory_space<vmem>> -> memref<8x1024xf32, #tpu.memory_space<vmem>>
      %dma_wait3A_1062 = arith.constant 0 : i32
      %dma_wait3A_1063 = arith.constant 0 : i32
      %dma_wait3A_1064 = tpu.memref_slice %arg5[%dma_wait3A_1062, %dma_wait3A_1063] : memref<100000x1024xf32, #tpu.memory_space<hbm>> -> memref<8x1024xf32, #tpu.memory_space<hbm>>
      %dma_wait3A_1065 = arith.constant 0 : i32
      %dma_wait3A_1066 = arith.constant 0 : i32
      %dma_wait3A_1067 = tpu.memref_slice %arg12[%dma_wait3A_1057, %dma_wait3A_1065, %dma_wait3A_1066] : memref<8x8x1024xf32, #tpu.memory_space<vmem>> -> memref<1x8x1024xf32, #tpu.memory_space<vmem>>
      %dma_wait3A_1068 = tpu.memref_squeeze %dma_wait3A_1067 : memref<1x8x1024xf32, #tpu.memory_space<vmem>> -> memref<8x1024xf32, #tpu.memory_space<vmem>>
      %dma_wait3A_1069 = arith.constant 0 : i32
      %dma_wait3A_1070 = arith.constant 0 : i32
      %dma_wait3A_1071 = tpu.memref_slice %arg5[%dma_wait3A_1069, %dma_wait3A_1070] : memref<100000x1024xf32, #tpu.memory_space<hbm>> -> memref<8x1024xf32, #tpu.memory_space<hbm>>
      tpu.wait_dma2 semaphore(%arg17 : memref<!tpu.dma_semaphore, #tpu.memory_space<semaphore_mem>>) src(%dma_wait3A_1071 : memref<8x1024xf32, #tpu.memory_space<hbm>>) dst(%dma_wait3A_1068 : memref<8x1024xf32, #tpu.memory_space<vmem>>)
      %mul3A_1072 = arith.constant 8 : i32
      %mul3A_1073 = arith.muli %add3A_1056, %mul3A_1072 : i32
      %add3A_1074 = arith.addi %mul3A_32, %mul3A_1073 : i32
      %dma_start3A_1075 = arith.constant 3 : i32
      %dma_start3A_1076 = arith.constant 0 : i32
      %dma_start3A_1077 = arith.constant 0 : i32
      %dma_start3A_1078 = tpu.memref_slice %arg12[%dma_start3A_1075, %dma_start3A_1076, %dma_start3A_1077] : memref<8x8x1024xf32, #tpu.memory_space<vmem>> -> memref<1x8x1024xf32, #tpu.memory_space<vmem>>
      %dma_start3A_1079 = tpu.memref_squeeze %dma_start3A_1078 : memref<1x8x1024xf32, #tpu.memory_space<vmem>> -> memref<8x1024xf32, #tpu.memory_space<vmem>>
      %dma_start3A_1080 = arith.constant 0 : i32
      %dma_start3A_1081 = tpu.memref_slice %arg6[%select_n3A, %add3A_1074, %dma_start3A_1080] : memref<4x4096x1024xf32, #tpu.memory_space<hbm>> -> memref<1x8x1024xf32, #tpu.memory_space<hbm>>
      %dma_start3A_1082 = tpu.memref_squeeze %dma_start3A_1081 : memref<1x8x1024xf32, #tpu.memory_space<hbm>> -> memref<8x1024xf32, #tpu.memory_space<hbm>>
      %dma_start3A_1083 = arith.constant 0 : i32
      %dma_start3A_1084 = tpu.memref_slice %arg6[%select_n3A, %add3A_1074, %dma_start3A_1083] : memref<4x4096x1024xf32, #tpu.memory_space<hbm>> -> memref<1x8x1024xf32, #tpu.memory_space<hbm>>
      %dma_start3A_1085 = tpu.memref_squeeze %dma_start3A_1084 : memref<1x8x1024xf32, #tpu.memory_space<hbm>> -> memref<8x1024xf32, #tpu.memory_space<hbm>>
      %dma_start3A_1086 = arith.constant 0 : i32
      %dma_start3A_1087 = arith.constant 0 : i32
      %dma_start3A_1088 = tpu.memref_slice %arg12[%dma_start3A_1075, %dma_start3A_1086, %dma_start3A_1087] : memref<8x8x1024xf32, #tpu.memory_space<vmem>> -> memref<1x8x1024xf32, #tpu.memory_space<vmem>>
      %dma_start3A_1089 = tpu.memref_squeeze %dma_start3A_1088 : memref<1x8x1024xf32, #tpu.memory_space<vmem>> -> memref<8x1024xf32, #tpu.memory_space<vmem>>
      tpu.enqueue_dma source(%dma_start3A_1089 : memref<8x1024xf32, #tpu.memory_space<vmem>>) target(%dma_start3A_1085 : memref<8x1024xf32, #tpu.memory_space<hbm>>) target_semaphore(%arg25 : memref<!tpu.dma_semaphore, #tpu.memory_space<semaphore_mem>>)
      %dma_wait3A_1090 = arith.constant 7 : i32
      %dma_wait3A_1091 = arith.constant 0 : i32
      %dma_wait3A_1092 = arith.constant 0 : i32
      %dma_wait3A_1093 = arith.constant 0 : i32
      %dma_wait3A_1094 = tpu.memref_slice %arg12[%dma_wait3A_1090, %dma_wait3A_1092, %dma_wait3A_1093] : memref<8x8x1024xf32, #tpu.memory_space<vmem>> -> memref<1x8x1024xf32, #tpu.memory_space<vmem>>
      %dma_wait3A_1095 = tpu.memref_squeeze %dma_wait3A_1094 : memref<1x8x1024xf32, #tpu.memory_space<vmem>> -> memref<8x1024xf32, #tpu.memory_space<vmem>>
      %dma_wait3A_1096 = arith.constant 0 : i32
      %dma_wait3A_1097 = arith.constant 0 : i32
      %dma_wait3A_1098 = tpu.memref_slice %arg6[%dma_wait3A_1091, %dma_wait3A_1096, %dma_wait3A_1097] : memref<4x4096x1024xf32, #tpu.memory_space<hbm>> -> memref<1x8x1024xf32, #tpu.memory_space<hbm>>
      %dma_wait3A_1099 = tpu.memref_squeeze %dma_wait3A_1098 : memref<1x8x1024xf32, #tpu.memory_space<hbm>> -> memref<8x1024xf32, #tpu.memory_space<hbm>>
      %dma_wait3A_1100 = arith.constant 0 : i32
      %dma_wait3A_1101 = arith.constant 0 : i32
      %dma_wait3A_1102 = tpu.memref_slice %arg6[%dma_wait3A_1091, %dma_wait3A_1100, %dma_wait3A_1101] : memref<4x4096x1024xf32, #tpu.memory_space<hbm>> -> memref<1x8x1024xf32, #tpu.memory_space<hbm>>
      %dma_wait3A_1103 = tpu.memref_squeeze %dma_wait3A_1102 : memref<1x8x1024xf32, #tpu.memory_space<hbm>> -> memref<8x1024xf32, #tpu.memory_space<hbm>>
      %dma_wait3A_1104 = arith.constant 0 : i32
      %dma_wait3A_1105 = arith.constant 0 : i32
      %dma_wait3A_1106 = tpu.memref_slice %arg12[%dma_wait3A_1090, %dma_wait3A_1104, %dma_wait3A_1105] : memref<8x8x1024xf32, #tpu.memory_space<vmem>> -> memref<1x8x1024xf32, #tpu.memory_space<vmem>>
      %dma_wait3A_1107 = tpu.memref_squeeze %dma_wait3A_1106 : memref<1x8x1024xf32, #tpu.memory_space<vmem>> -> memref<8x1024xf32, #tpu.memory_space<vmem>>
      tpu.wait_dma2 semaphore(%arg29 : memref<!tpu.dma_semaphore, #tpu.memory_space<semaphore_mem>>) src(%dma_wait3A_1107 : memref<8x1024xf32, #tpu.memory_space<vmem>>) dst(%dma_wait3A_1103 : memref<8x1024xf32, #tpu.memory_space<hbm>>)
      %add3A_1108 = arith.constant 4 : i32
      %add3A_1109 = arith.addi %add3A_1056, %add3A_1108 : i32
      %mul3A_1110 = arith.constant 8 : i32
      %mul3A_1111 = arith.muli %add3A_1109, %mul3A_1110 : i32
      %dma_start3A_1112 = arith.constant 7 : i32
      %dma_start3A_1113 = arith.constant 0 : i32
      %dma_start3A_1114 = arith.constant 0 : i32
      %dma_start3A_1115 = tpu.memref_slice %arg12[%dma_start3A_1112, %dma_start3A_1113, %dma_start3A_1114] : memref<8x8x1024xf32, #tpu.memory_space<vmem>> -> memref<1x8x1024xf32, #tpu.memory_space<vmem>>
      %dma_start3A_1116 = tpu.memref_squeeze %dma_start3A_1115 : memref<1x8x1024xf32, #tpu.memory_space<vmem>> -> memref<8x1024xf32, #tpu.memory_space<vmem>>
      %dma_start3A_1117 = tpu.memref_slice %arg9[%mul3A_1111] : memref<512xi32, #tpu.memory_space<vmem>> -> memref<8xi32, #tpu.memory_space<vmem>>
      %dma_start3A_1118 = arith.constant 0 : i32
      %dma_start3A_1119 = arith.constant 0 : i32
      %dma_start3A_1120 = tpu.memref_slice %arg5[%dma_start3A_1118, %dma_start3A_1119] : memref<100000x1024xf32, #tpu.memory_space<hbm>> -> memref<100000x1024xf32, #tpu.memory_space<hbm>>
      tpu.enqueue_indirect_dma source(%dma_start3A_1120 : memref<100000x1024xf32, #tpu.memory_space<hbm>>) target(%dma_start3A_1116 : memref<8x1024xf32, #tpu.memory_space<vmem>>) offsets(%dma_start3A_1117 : memref<8xi32, #tpu.memory_space<vmem>>) semaphore(%arg21 : memref<!tpu.dma_semaphore, #tpu.memory_space<semaphore_mem>>)
    }
    %scan3A_273 = arith.constant 7 : i32
    %dma_wait3A_274 = arith.constant 4 : i32
    %dma_wait3A_275 = arith.constant 0 : i32
    %dma_wait3A_276 = arith.constant 0 : i32
    %dma_wait3A_277 = tpu.memref_slice %arg12[%dma_wait3A_274, %dma_wait3A_275, %dma_wait3A_276] : memref<8x8x1024xf32, #tpu.memory_space<vmem>> -> memref<1x8x1024xf32, #tpu.memory_space<vmem>>
    %dma_wait3A_278 = tpu.memref_squeeze %dma_wait3A_277 : memref<1x8x1024xf32, #tpu.memory_space<vmem>> -> memref<8x1024xf32, #tpu.memory_space<vmem>>
    %dma_wait3A_279 = arith.constant 0 : i32
    %dma_wait3A_280 = arith.constant 0 : i32
    %dma_wait3A_281 = tpu.memref_slice %arg5[%dma_wait3A_279, %dma_wait3A_280] : memref<100000x1024xf32, #tpu.memory_space<hbm>> -> memref<8x1024xf32, #tpu.memory_space<hbm>>
    %dma_wait3A_282 = arith.constant 0 : i32
    %dma_wait3A_283 = arith.constant 0 : i32
    %dma_wait3A_284 = tpu.memref_slice %arg12[%dma_wait3A_274, %dma_wait3A_282, %dma_wait3A_283] : memref<8x8x1024xf32, #tpu.memory_space<vmem>> -> memref<1x8x1024xf32, #tpu.memory_space<vmem>>
    %dma_wait3A_285 = tpu.memref_squeeze %dma_wait3A_284 : memref<1x8x1024xf32, #tpu.memory_space<vmem>> -> memref<8x1024xf32, #tpu.memory_space<vmem>>
    %dma_wait3A_286 = arith.constant 0 : i32
    %dma_wait3A_287 = arith.constant 0 : i32
    %dma_wait3A_288 = tpu.memref_slice %arg5[%dma_wait3A_286, %dma_wait3A_287] : memref<100000x1024xf32, #tpu.memory_space<hbm>> -> memref<8x1024xf32, #tpu.memory_space<hbm>>
    tpu.wait_dma2 semaphore(%arg18 : memref<!tpu.dma_semaphore, #tpu.memory_space<semaphore_mem>>) src(%dma_wait3A_288 : memref<8x1024xf32, #tpu.memory_space<hbm>>) dst(%dma_wait3A_285 : memref<8x1024xf32, #tpu.memory_space<vmem>>)
    %add3A_289 = arith.constant 480 : i32
    %add3A_290 = arith.addi %mul3A_32, %add3A_289 : i32
    %dma_start3A_291 = arith.constant 4 : i32
    %dma_start3A_292 = arith.constant 0 : i32
    %dma_start3A_293 = arith.constant 0 : i32
    %dma_start3A_294 = tpu.memref_slice %arg12[%dma_start3A_291, %dma_start3A_292, %dma_start3A_293] : memref<8x8x1024xf32, #tpu.memory_space<vmem>> -> memref<1x8x1024xf32, #tpu.memory_space<vmem>>
    %dma_start3A_295 = tpu.memref_squeeze %dma_start3A_294 : memref<1x8x1024xf32, #tpu.memory_space<vmem>> -> memref<8x1024xf32, #tpu.memory_space<vmem>>
    %dma_start3A_296 = arith.constant 0 : i32
    %dma_start3A_297 = tpu.memref_slice %arg6[%select_n3A, %add3A_290, %dma_start3A_296] : memref<4x4096x1024xf32, #tpu.memory_space<hbm>> -> memref<1x8x1024xf32, #tpu.memory_space<hbm>>
    %dma_start3A_298 = tpu.memref_squeeze %dma_start3A_297 : memref<1x8x1024xf32, #tpu.memory_space<hbm>> -> memref<8x1024xf32, #tpu.memory_space<hbm>>
    %dma_start3A_299 = arith.constant 0 : i32
    %dma_start3A_300 = tpu.memref_slice %arg6[%select_n3A, %add3A_290, %dma_start3A_299] : memref<4x4096x1024xf32, #tpu.memory_space<hbm>> -> memref<1x8x1024xf32, #tpu.memory_space<hbm>>
    %dma_start3A_301 = tpu.memref_squeeze %dma_start3A_300 : memref<1x8x1024xf32, #tpu.memory_space<hbm>> -> memref<8x1024xf32, #tpu.memory_space<hbm>>
    %dma_start3A_302 = arith.constant 0 : i32
    %dma_start3A_303 = arith.constant 0 : i32
    %dma_start3A_304 = tpu.memref_slice %arg12[%dma_start3A_291, %dma_start3A_302, %dma_start3A_303] : memref<8x8x1024xf32, #tpu.memory_space<vmem>> -> memref<1x8x1024xf32, #tpu.memory_space<vmem>>
    %dma_start3A_305 = tpu.memref_squeeze %dma_start3A_304 : memref<1x8x1024xf32, #tpu.memory_space<vmem>> -> memref<8x1024xf32, #tpu.memory_space<vmem>>
    tpu.enqueue_dma source(%dma_start3A_305 : memref<8x1024xf32, #tpu.memory_space<vmem>>) target(%dma_start3A_301 : memref<8x1024xf32, #tpu.memory_space<hbm>>) target_semaphore(%arg26 : memref<!tpu.dma_semaphore, #tpu.memory_space<semaphore_mem>>)
    %dma_wait3A_306 = arith.constant 5 : i32
    %dma_wait3A_307 = arith.constant 0 : i32
    %dma_wait3A_308 = arith.constant 0 : i32
    %dma_wait3A_309 = tpu.memref_slice %arg12[%dma_wait3A_306, %dma_wait3A_307, %dma_wait3A_308] : memref<8x8x1024xf32, #tpu.memory_space<vmem>> -> memref<1x8x1024xf32, #tpu.memory_space<vmem>>
    %dma_wait3A_310 = tpu.memref_squeeze %dma_wait3A_309 : memref<1x8x1024xf32, #tpu.memory_space<vmem>> -> memref<8x1024xf32, #tpu.memory_space<vmem>>
    %dma_wait3A_311 = arith.constant 0 : i32
    %dma_wait3A_312 = arith.constant 0 : i32
    %dma_wait3A_313 = tpu.memref_slice %arg5[%dma_wait3A_311, %dma_wait3A_312] : memref<100000x1024xf32, #tpu.memory_space<hbm>> -> memref<8x1024xf32, #tpu.memory_space<hbm>>
    %dma_wait3A_314 = arith.constant 0 : i32
    %dma_wait3A_315 = arith.constant 0 : i32
    %dma_wait3A_316 = tpu.memref_slice %arg12[%dma_wait3A_306, %dma_wait3A_314, %dma_wait3A_315] : memref<8x8x1024xf32, #tpu.memory_space<vmem>> -> memref<1x8x1024xf32, #tpu.memory_space<vmem>>
    %dma_wait3A_317 = tpu.memref_squeeze %dma_wait3A_316 : memref<1x8x1024xf32, #tpu.memory_space<vmem>> -> memref<8x1024xf32, #tpu.memory_space<vmem>>
    %dma_wait3A_318 = arith.constant 0 : i32
    %dma_wait3A_319 = arith.constant 0 : i32
    %dma_wait3A_320 = tpu.memref_slice %arg5[%dma_wait3A_318, %dma_wait3A_319] : memref<100000x1024xf32, #tpu.memory_space<hbm>> -> memref<8x1024xf32, #tpu.memory_space<hbm>>
    tpu.wait_dma2 semaphore(%arg19 : memref<!tpu.dma_semaphore, #tpu.memory_space<semaphore_mem>>) src(%dma_wait3A_320 : memref<8x1024xf32, #tpu.memory_space<hbm>>) dst(%dma_wait3A_317 : memref<8x1024xf32, #tpu.memory_space<vmem>>)
    %add3A_321 = arith.constant 488 : i32
    %add3A_322 = arith.addi %mul3A_32, %add3A_321 : i32
    %dma_start3A_323 = arith.constant 5 : i32
    %dma_start3A_324 = arith.constant 0 : i32
    %dma_start3A_325 = arith.constant 0 : i32
    %dma_start3A_326 = tpu.memref_slice %arg12[%dma_start3A_323, %dma_start3A_324, %dma_start3A_325] : memref<8x8x1024xf32, #tpu.memory_space<vmem>> -> memref<1x8x1024xf32, #tpu.memory_space<vmem>>
    %dma_start3A_327 = tpu.memref_squeeze %dma_start3A_326 : memref<1x8x1024xf32, #tpu.memory_space<vmem>> -> memref<8x1024xf32, #tpu.memory_space<vmem>>
    %dma_start3A_328 = arith.constant 0 : i32
    %dma_start3A_329 = tpu.memref_slice %arg6[%select_n3A, %add3A_322, %dma_start3A_328] : memref<4x4096x1024xf32, #tpu.memory_space<hbm>> -> memref<1x8x1024xf32, #tpu.memory_space<hbm>>
    %dma_start3A_330 = tpu.memref_squeeze %dma_start3A_329 : memref<1x8x1024xf32, #tpu.memory_space<hbm>> -> memref<8x1024xf32, #tpu.memory_space<hbm>>
    %dma_start3A_331 = arith.constant 0 : i32
    %dma_start3A_332 = tpu.memref_slice %arg6[%select_n3A, %add3A_322, %dma_start3A_331] : memref<4x4096x1024xf32, #tpu.memory_space<hbm>> -> memref<1x8x1024xf32, #tpu.memory_space<hbm>>
    %dma_start3A_333 = tpu.memref_squeeze %dma_start3A_332 : memref<1x8x1024xf32, #tpu.memory_space<hbm>> -> memref<8x1024xf32, #tpu.memory_space<hbm>>
    %dma_start3A_334 = arith.constant 0 : i32
    %dma_start3A_335 = arith.constant 0 : i32
    %dma_start3A_336 = tpu.memref_slice %arg12[%dma_start3A_323, %dma_start3A_334, %dma_start3A_335] : memref<8x8x1024xf32, #tpu.memory_space<vmem>> -> memref<1x8x1024xf32, #tpu.memory_space<vmem>>
    %dma_start3A_337 = tpu.memref_squeeze %dma_start3A_336 : memref<1x8x1024xf32, #tpu.memory_space<vmem>> -> memref<8x1024xf32, #tpu.memory_space<vmem>>
    tpu.enqueue_dma source(%dma_start3A_337 : memref<8x1024xf32, #tpu.memory_space<vmem>>) target(%dma_start3A_333 : memref<8x1024xf32, #tpu.memory_space<hbm>>) target_semaphore(%arg27 : memref<!tpu.dma_semaphore, #tpu.memory_space<semaphore_mem>>)
    %dma_wait3A_338 = arith.constant 6 : i32
    %dma_wait3A_339 = arith.constant 0 : i32
    %dma_wait3A_340 = arith.constant 0 : i32
    %dma_wait3A_341 = tpu.memref_slice %arg12[%dma_wait3A_338, %dma_wait3A_339, %dma_wait3A_340] : memref<8x8x1024xf32, #tpu.memory_space<vmem>> -> memref<1x8x1024xf32, #tpu.memory_space<vmem>>
    %dma_wait3A_342 = tpu.memref_squeeze %dma_wait3A_341 : memref<1x8x1024xf32, #tpu.memory_space<vmem>> -> memref<8x1024xf32, #tpu.memory_space<vmem>>
    %dma_wait3A_343 = arith.constant 0 : i32
    %dma_wait3A_344 = arith.constant 0 : i32
    %dma_wait3A_345 = tpu.memref_slice %arg5[%dma_wait3A_343, %dma_wait3A_344] : memref<100000x1024xf32, #tpu.memory_space<hbm>> -> memref<8x1024xf32, #tpu.memory_space<hbm>>
    %dma_wait3A_346 = arith.constant 0 : i32
    %dma_wait3A_347 = arith.constant 0 : i32
    %dma_wait3A_348 = tpu.memref_slice %arg12[%dma_wait3A_338, %dma_wait3A_346, %dma_wait3A_347] : memref<8x8x1024xf32, #tpu.memory_space<vmem>> -> memref<1x8x1024xf32, #tpu.memory_space<vmem>>
    %dma_wait3A_349 = tpu.memref_squeeze %dma_wait3A_348 : memref<1x8x1024xf32, #tpu.memory_space<vmem>> -> memref<8x1024xf32, #tpu.memory_space<vmem>>
    %dma_wait3A_350 = arith.constant 0 : i32
    %dma_wait3A_351 = arith.constant 0 : i32
    %dma_wait3A_352 = tpu.memref_slice %arg5[%dma_wait3A_350, %dma_wait3A_351] : memref<100000x1024xf32, #tpu.memory_space<hbm>> -> memref<8x1024xf32, #tpu.memory_space<hbm>>
    tpu.wait_dma2 semaphore(%arg20 : memref<!tpu.dma_semaphore, #tpu.memory_space<semaphore_mem>>) src(%dma_wait3A_352 : memref<8x1024xf32, #tpu.memory_space<hbm>>) dst(%dma_wait3A_349 : memref<8x1024xf32, #tpu.memory_space<vmem>>)
    %add3A_353 = arith.constant 496 : i32
    %add3A_354 = arith.addi %mul3A_32, %add3A_353 : i32
    %dma_start3A_355 = arith.constant 6 : i32
    %dma_start3A_356 = arith.constant 0 : i32
    %dma_start3A_357 = arith.constant 0 : i32
    %dma_start3A_358 = tpu.memref_slice %arg12[%dma_start3A_355, %dma_start3A_356, %dma_start3A_357] : memref<8x8x1024xf32, #tpu.memory_space<vmem>> -> memref<1x8x1024xf32, #tpu.memory_space<vmem>>
    %dma_start3A_359 = tpu.memref_squeeze %dma_start3A_358 : memref<1x8x1024xf32, #tpu.memory_space<vmem>> -> memref<8x1024xf32, #tpu.memory_space<vmem>>
    %dma_start3A_360 = arith.constant 0 : i32
    %dma_start3A_361 = tpu.memref_slice %arg6[%select_n3A, %add3A_354, %dma_start3A_360] : memref<4x4096x1024xf32, #tpu.memory_space<hbm>> -> memref<1x8x1024xf32, #tpu.memory_space<hbm>>
    %dma_start3A_362 = tpu.memref_squeeze %dma_start3A_361 : memref<1x8x1024xf32, #tpu.memory_space<hbm>> -> memref<8x1024xf32, #tpu.memory_space<hbm>>
    %dma_start3A_363 = arith.constant 0 : i32
    %dma_start3A_364 = tpu.memref_slice %arg6[%select_n3A, %add3A_354, %dma_start3A_363] : memref<4x4096x1024xf32, #tpu.memory_space<hbm>> -> memref<1x8x1024xf32, #tpu.memory_space<hbm>>
    %dma_start3A_365 = tpu.memref_squeeze %dma_start3A_364 : memref<1x8x1024xf32, #tpu.memory_space<hbm>> -> memref<8x1024xf32, #tpu.memory_space<hbm>>
    %dma_start3A_366 = arith.constant 0 : i32
    %dma_start3A_367 = arith.constant 0 : i32
    %dma_start3A_368 = tpu.memref_slice %arg12[%dma_start3A_355, %dma_start3A_366, %dma_start3A_367] : memref<8x8x1024xf32, #tpu.memory_space<vmem>> -> memref<1x8x1024xf32, #tpu.memory_space<vmem>>
    %dma_start3A_369 = tpu.memref_squeeze %dma_start3A_368 : memref<1x8x1024xf32, #tpu.memory_space<vmem>> -> memref<8x1024xf32, #tpu.memory_space<vmem>>
    tpu.enqueue_dma source(%dma_start3A_369 : memref<8x1024xf32, #tpu.memory_space<vmem>>) target(%dma_start3A_365 : memref<8x1024xf32, #tpu.memory_space<hbm>>) target_semaphore(%arg28 : memref<!tpu.dma_semaphore, #tpu.memory_space<semaphore_mem>>)
    %dma_wait3A_370 = arith.constant 7 : i32
    %dma_wait3A_371 = arith.constant 0 : i32
    %dma_wait3A_372 = arith.constant 0 : i32
    %dma_wait3A_373 = tpu.memref_slice %arg12[%dma_wait3A_370, %dma_wait3A_371, %dma_wait3A_372] : memref<8x8x1024xf32, #tpu.memory_space<vmem>> -> memref<1x8x1024xf32, #tpu.memory_space<vmem>>
    %dma_wait3A_374 = tpu.memref_squeeze %dma_wait3A_373 : memref<1x8x1024xf32, #tpu.memory_space<vmem>> -> memref<8x1024xf32, #tpu.memory_space<vmem>>
    %dma_wait3A_375 = arith.constant 0 : i32
    %dma_wait3A_376 = arith.constant 0 : i32
    %dma_wait3A_377 = tpu.memref_slice %arg5[%dma_wait3A_375, %dma_wait3A_376] : memref<100000x1024xf32, #tpu.memory_space<hbm>> -> memref<8x1024xf32, #tpu.memory_space<hbm>>
    %dma_wait3A_378 = arith.constant 0 : i32
    %dma_wait3A_379 = arith.constant 0 : i32
    %dma_wait3A_380 = tpu.memref_slice %arg12[%dma_wait3A_370, %dma_wait3A_378, %dma_wait3A_379] : memref<8x8x1024xf32, #tpu.memory_space<vmem>> -> memref<1x8x1024xf32, #tpu.memory_space<vmem>>
    %dma_wait3A_381 = tpu.memref_squeeze %dma_wait3A_380 : memref<1x8x1024xf32, #tpu.memory_space<vmem>> -> memref<8x1024xf32, #tpu.memory_space<vmem>>
    %dma_wait3A_382 = arith.constant 0 : i32
    %dma_wait3A_383 = arith.constant 0 : i32
    %dma_wait3A_384 = tpu.memref_slice %arg5[%dma_wait3A_382, %dma_wait3A_383] : memref<100000x1024xf32, #tpu.memory_space<hbm>> -> memref<8x1024xf32, #tpu.memory_space<hbm>>
    tpu.wait_dma2 semaphore(%arg21 : memref<!tpu.dma_semaphore, #tpu.memory_space<semaphore_mem>>) src(%dma_wait3A_384 : memref<8x1024xf32, #tpu.memory_space<hbm>>) dst(%dma_wait3A_381 : memref<8x1024xf32, #tpu.memory_space<vmem>>)
    %add3A_385 = arith.constant 504 : i32
    %add3A_386 = arith.addi %mul3A_32, %add3A_385 : i32
    %dma_start3A_387 = arith.constant 7 : i32
    %dma_start3A_388 = arith.constant 0 : i32
    %dma_start3A_389 = arith.constant 0 : i32
    %dma_start3A_390 = tpu.memref_slice %arg12[%dma_start3A_387, %dma_start3A_388, %dma_start3A_389] : memref<8x8x1024xf32, #tpu.memory_space<vmem>> -> memref<1x8x1024xf32, #tpu.memory_space<vmem>>
    %dma_start3A_391 = tpu.memref_squeeze %dma_start3A_390 : memref<1x8x1024xf32, #tpu.memory_space<vmem>> -> memref<8x1024xf32, #tpu.memory_space<vmem>>
    %dma_start3A_392 = arith.constant 0 : i32
    %dma_start3A_393 = tpu.memref_slice %arg6[%select_n3A, %add3A_386, %dma_start3A_392] : memref<4x4096x1024xf32, #tpu.memory_space<hbm>> -> memref<1x8x1024xf32, #tpu.memory_space<hbm>>
    %dma_start3A_394 = tpu.memref_squeeze %dma_start3A_393 : memref<1x8x1024xf32, #tpu.memory_space<hbm>> -> memref<8x1024xf32, #tpu.memory_space<hbm>>
    %dma_start3A_395 = arith.constant 0 : i32
    %dma_start3A_396 = tpu.memref_slice %arg6[%select_n3A, %add3A_386, %dma_start3A_395] : memref<4x4096x1024xf32, #tpu.memory_space<hbm>> -> memref<1x8x1024xf32, #tpu.memory_space<hbm>>
    %dma_start3A_397 = tpu.memref_squeeze %dma_start3A_396 : memref<1x8x1024xf32, #tpu.memory_space<hbm>> -> memref<8x1024xf32, #tpu.memory_space<hbm>>
    %dma_start3A_398 = arith.constant 0 : i32
    %dma_start3A_399 = arith.constant 0 : i32
    %dma_start3A_400 = tpu.memref_slice %arg12[%dma_start3A_387, %dma_start3A_398, %dma_start3A_399] : memref<8x8x1024xf32, #tpu.memory_space<vmem>> -> memref<1x8x1024xf32, #tpu.memory_space<vmem>>
    %dma_start3A_401 = tpu.memref_squeeze %dma_start3A_400 : memref<1x8x1024xf32, #tpu.memory_space<vmem>> -> memref<8x1024xf32, #tpu.memory_space<vmem>>
    tpu.enqueue_dma source(%dma_start3A_401 : memref<8x1024xf32, #tpu.memory_space<vmem>>) target(%dma_start3A_397 : memref<8x1024xf32, #tpu.memory_space<hbm>>) target_semaphore(%arg29 : memref<!tpu.dma_semaphore, #tpu.memory_space<semaphore_mem>>)
    %dma_wait3A_402 = arith.constant 0 : i32
    %dma_wait3A_403 = arith.constant 0 : i32
    %dma_wait3A_404 = arith.constant 0 : i32
    %dma_wait3A_405 = arith.constant 0 : i32
    %dma_wait3A_406 = tpu.memref_slice %arg12[%dma_wait3A_402, %dma_wait3A_404, %dma_wait3A_405] : memref<8x8x1024xf32, #tpu.memory_space<vmem>> -> memref<1x8x1024xf32, #tpu.memory_space<vmem>>
    %dma_wait3A_407 = tpu.memref_squeeze %dma_wait3A_406 : memref<1x8x1024xf32, #tpu.memory_space<vmem>> -> memref<8x1024xf32, #tpu.memory_space<vmem>>
    %dma_wait3A_408 = arith.constant 0 : i32
    %dma_wait3A_409 = arith.constant 0 : i32
    %dma_wait3A_410 = tpu.memref_slice %arg6[%dma_wait3A_403, %dma_wait3A_408, %dma_wait3A_409] : memref<4x4096x1024xf32, #tpu.memory_space<hbm>> -> memref<1x8x1024xf32, #tpu.memory_space<hbm>>
    %dma_wait3A_411 = tpu.memref_squeeze %dma_wait3A_410 : memref<1x8x1024xf32, #tpu.memory_space<hbm>> -> memref<8x1024xf32, #tpu.memory_space<hbm>>
    %dma_wait3A_412 = arith.constant 0 : i32
    %dma_wait3A_413 = arith.constant 0 : i32
    %dma_wait3A_414 = tpu.memref_slice %arg6[%dma_wait3A_403, %dma_wait3A_412, %dma_wait3A_413] : memref<4x4096x1024xf32, #tpu.memory_space<hbm>> -> memref<1x8x1024xf32, #tpu.memory_space<hbm>>
    %dma_wait3A_415 = tpu.memref_squeeze %dma_wait3A_414 : memref<1x8x1024xf32, #tpu.memory_space<hbm>> -> memref<8x1024xf32, #tpu.memory_space<hbm>>
    %dma_wait3A_416 = arith.constant 0 : i32
    %dma_wait3A_417 = arith.constant 0 : i32
    %dma_wait3A_418 = tpu.memref_slice %arg12[%dma_wait3A_402, %dma_wait3A_416, %dma_wait3A_417] : memref<8x8x1024xf32, #tpu.memory_space<vmem>> -> memref<1x8x1024xf32, #tpu.memory_space<vmem>>
    %dma_wait3A_419 = tpu.memref_squeeze %dma_wait3A_418 : memref<1x8x1024xf32, #tpu.memory_space<vmem>> -> memref<8x1024xf32, #tpu.memory_space<vmem>>
    tpu.wait_dma2 semaphore(%arg22 : memref<!tpu.dma_semaphore, #tpu.memory_space<semaphore_mem>>) src(%dma_wait3A_419 : memref<8x1024xf32, #tpu.memory_space<vmem>>) dst(%dma_wait3A_415 : memref<8x1024xf32, #tpu.memory_space<hbm>>)
    %dma_wait3A_420 = arith.constant 1 : i32
    %dma_wait3A_421 = arith.constant 0 : i32
    %dma_wait3A_422 = arith.constant 0 : i32
    %dma_wait3A_423 = arith.constant 0 : i32
    %dma_wait3A_424 = tpu.memref_slice %arg12[%dma_wait3A_420, %dma_wait3A_422, %dma_wait3A_423] : memref<8x8x1024xf32, #tpu.memory_space<vmem>> -> memref<1x8x1024xf32, #tpu.memory_space<vmem>>
    %dma_wait3A_425 = tpu.memref_squeeze %dma_wait3A_424 : memref<1x8x1024xf32, #tpu.memory_space<vmem>> -> memref<8x1024xf32, #tpu.memory_space<vmem>>
    %dma_wait3A_426 = arith.constant 0 : i32
    %dma_wait3A_427 = arith.constant 0 : i32
    %dma_wait3A_428 = tpu.memref_slice %arg6[%dma_wait3A_421, %dma_wait3A_426, %dma_wait3A_427] : memref<4x4096x1024xf32, #tpu.memory_space<hbm>> -> memref<1x8x1024xf32, #tpu.memory_space<hbm>>
    %dma_wait3A_429 = tpu.memref_squeeze %dma_wait3A_428 : memref<1x8x1024xf32, #tpu.memory_space<hbm>> -> memref<8x1024xf32, #tpu.memory_space<hbm>>
    %dma_wait3A_430 = arith.constant 0 : i32
    %dma_wait3A_431 = arith.constant 0 : i32
    %dma_wait3A_432 = tpu.memref_slice %arg6[%dma_wait3A_421, %dma_wait3A_430, %dma_wait3A_431] : memref<4x4096x1024xf32, #tpu.memory_space<hbm>> -> memref<1x8x1024xf32, #tpu.memory_space<hbm>>
    %dma_wait3A_433 = tpu.memref_squeeze %dma_wait3A_432 : memref<1x8x1024xf32, #tpu.memory_space<hbm>> -> memref<8x1024xf32, #tpu.memory_space<hbm>>
    %dma_wait3A_434 = arith.constant 0 : i32
    %dma_wait3A_435 = arith.constant 0 : i32
    %dma_wait3A_436 = tpu.memref_slice %arg12[%dma_wait3A_420, %dma_wait3A_434, %dma_wait3A_435] : memref<8x8x1024xf32, #tpu.memory_space<vmem>> -> memref<1x8x1024xf32, #tpu.memory_space<vmem>>
    %dma_wait3A_437 = tpu.memref_squeeze %dma_wait3A_436 : memref<1x8x1024xf32, #tpu.memory_space<vmem>> -> memref<8x1024xf32, #tpu.memory_space<vmem>>
    tpu.wait_dma2 semaphore(%arg23 : memref<!tpu.dma_semaphore, #tpu.memory_space<semaphore_mem>>) src(%dma_wait3A_437 : memref<8x1024xf32, #tpu.memory_space<vmem>>) dst(%dma_wait3A_433 : memref<8x1024xf32, #tpu.memory_space<hbm>>)
    %dma_wait3A_438 = arith.constant 2 : i32
    %dma_wait3A_439 = arith.constant 0 : i32
    %dma_wait3A_440 = arith.constant 0 : i32
    %dma_wait3A_441 = arith.constant 0 : i32
    %dma_wait3A_442 = tpu.memref_slice %arg12[%dma_wait3A_438, %dma_wait3A_440, %dma_wait3A_441] : memref<8x8x1024xf32, #tpu.memory_space<vmem>> -> memref<1x8x1024xf32, #tpu.memory_space<vmem>>
    %dma_wait3A_443 = tpu.memref_squeeze %dma_wait3A_442 : memref<1x8x1024xf32, #tpu.memory_space<vmem>> -> memref<8x1024xf32, #tpu.memory_space<vmem>>
    %dma_wait3A_444 = arith.constant 0 : i32
    %dma_wait3A_445 = arith.constant 0 : i32
    %dma_wait3A_446 = tpu.memref_slice %arg6[%dma_wait3A_439, %dma_wait3A_444, %dma_wait3A_445] : memref<4x4096x1024xf32, #tpu.memory_space<hbm>> -> memref<1x8x1024xf32, #tpu.memory_space<hbm>>
    %dma_wait3A_447 = tpu.memref_squeeze %dma_wait3A_446 : memref<1x8x1024xf32, #tpu.memory_space<hbm>> -> memref<8x1024xf32, #tpu.memory_space<hbm>>
    %dma_wait3A_448 = arith.constant 0 : i32
    %dma_wait3A_449 = arith.constant 0 : i32
    %dma_wait3A_450 = tpu.memref_slice %arg6[%dma_wait3A_439, %dma_wait3A_448, %dma_wait3A_449] : memref<4x4096x1024xf32, #tpu.memory_space<hbm>> -> memref<1x8x1024xf32, #tpu.memory_space<hbm>>
    %dma_wait3A_451 = tpu.memref_squeeze %dma_wait3A_450 : memref<1x8x1024xf32, #tpu.memory_space<hbm>> -> memref<8x1024xf32, #tpu.memory_space<hbm>>
    %dma_wait3A_452 = arith.constant 0 : i32
    %dma_wait3A_453 = arith.constant 0 : i32
    %dma_wait3A_454 = tpu.memref_slice %arg12[%dma_wait3A_438, %dma_wait3A_452, %dma_wait3A_453] : memref<8x8x1024xf32, #tpu.memory_space<vmem>> -> memref<1x8x1024xf32, #tpu.memory_space<vmem>>
    %dma_wait3A_455 = tpu.memref_squeeze %dma_wait3A_454 : memref<1x8x1024xf32, #tpu.memory_space<vmem>> -> memref<8x1024xf32, #tpu.memory_space<vmem>>
    tpu.wait_dma2 semaphore(%arg24 : memref<!tpu.dma_semaphore, #tpu.memory_space<semaphore_mem>>) src(%dma_wait3A_455 : memref<8x1024xf32, #tpu.memory_space<vmem>>) dst(%dma_wait3A_451 : memref<8x1024xf32, #tpu.memory_space<hbm>>)
    %dma_wait3A_456 = arith.constant 3 : i32
    %dma_wait3A_457 = arith.constant 0 : i32
    %dma_wait3A_458 = arith.constant 0 : i32
    %dma_wait3A_459 = arith.constant 0 : i32
    %dma_wait3A_460 = tpu.memref_slice %arg12[%dma_wait3A_456, %dma_wait3A_458, %dma_wait3A_459] : memref<8x8x1024xf32, #tpu.memory_space<vmem>> -> memref<1x8x1024xf32, #tpu.memory_space<vmem>>
    %dma_wait3A_461 = tpu.memref_squeeze %dma_wait3A_460 : memref<1x8x1024xf32, #tpu.memory_space<vmem>> -> memref<8x1024xf32, #tpu.memory_space<vmem>>
    %dma_wait3A_462 = arith.constant 0 : i32
    %dma_wait3A_463 = arith.constant 0 : i32
    %dma_wait3A_464 = tpu.memref_slice %arg6[%dma_wait3A_457, %dma_wait3A_462, %dma_wait3A_463] : memref<4x4096x1024xf32, #tpu.memory_space<hbm>> -> memref<1x8x1024xf32, #tpu.memory_space<hbm>>
    %dma_wait3A_465 = tpu.memref_squeeze %dma_wait3A_464 : memref<1x8x1024xf32, #tpu.memory_space<hbm>> -> memref<8x1024xf32, #tpu.memory_space<hbm>>
    %dma_wait3A_466 = arith.constant 0 : i32
    %dma_wait3A_467 = arith.constant 0 : i32
    %dma_wait3A_468 = tpu.memref_slice %arg6[%dma_wait3A_457, %dma_wait3A_466, %dma_wait3A_467] : memref<4x4096x1024xf32, #tpu.memory_space<hbm>> -> memref<1x8x1024xf32, #tpu.memory_space<hbm>>
    %dma_wait3A_469 = tpu.memref_squeeze %dma_wait3A_468 : memref<1x8x1024xf32, #tpu.memory_space<hbm>> -> memref<8x1024xf32, #tpu.memory_space<hbm>>
    %dma_wait3A_470 = arith.constant 0 : i32
    %dma_wait3A_471 = arith.constant 0 : i32
    %dma_wait3A_472 = tpu.memref_slice %arg12[%dma_wait3A_456, %dma_wait3A_470, %dma_wait3A_471] : memref<8x8x1024xf32, #tpu.memory_space<vmem>> -> memref<1x8x1024xf32, #tpu.memory_space<vmem>>
    %dma_wait3A_473 = tpu.memref_squeeze %dma_wait3A_472 : memref<1x8x1024xf32, #tpu.memory_space<vmem>> -> memref<8x1024xf32, #tpu.memory_space<vmem>>
    tpu.wait_dma2 semaphore(%arg25 : memref<!tpu.dma_semaphore, #tpu.memory_space<semaphore_mem>>) src(%dma_wait3A_473 : memref<8x1024xf32, #tpu.memory_space<vmem>>) dst(%dma_wait3A_469 : memref<8x1024xf32, #tpu.memory_space<hbm>>)
    %dma_wait3A_474 = arith.constant 4 : i32
    %dma_wait3A_475 = arith.constant 0 : i32
    %dma_wait3A_476 = arith.constant 0 : i32
    %dma_wait3A_477 = arith.constant 0 : i32
    %dma_wait3A_478 = tpu.memref_slice %arg12[%dma_wait3A_474, %dma_wait3A_476, %dma_wait3A_477] : memref<8x8x1024xf32, #tpu.memory_space<vmem>> -> memref<1x8x1024xf32, #tpu.memory_space<vmem>>
    %dma_wait3A_479 = tpu.memref_squeeze %dma_wait3A_478 : memref<1x8x1024xf32, #tpu.memory_space<vmem>> -> memref<8x1024xf32, #tpu.memory_space<vmem>>
    %dma_wait3A_480 = arith.constant 0 : i32
    %dma_wait3A_481 = arith.constant 0 : i32
    %dma_wait3A_482 = tpu.memref_slice %arg6[%dma_wait3A_475, %dma_wait3A_480, %dma_wait3A_481] : memref<4x4096x1024xf32, #tpu.memory_space<hbm>> -> memref<1x8x1024xf32, #tpu.memory_space<hbm>>
    %dma_wait3A_483 = tpu.memref_squeeze %dma_wait3A_482 : memref<1x8x1024xf32, #tpu.memory_space<hbm>> -> memref<8x1024xf32, #tpu.memory_space<hbm>>
    %dma_wait3A_484 = arith.constant 0 : i32
    %dma_wait3A_485 = arith.constant 0 : i32
    %dma_wait3A_486 = tpu.memref_slice %arg6[%dma_wait3A_475, %dma_wait3A_484, %dma_wait3A_485] : memref<4x4096x1024xf32, #tpu.memory_space<hbm>> -> memref<1x8x1024xf32, #tpu.memory_space<hbm>>
    %dma_wait3A_487 = tpu.memref_squeeze %dma_wait3A_486 : memref<1x8x1024xf32, #tpu.memory_space<hbm>> -> memref<8x1024xf32, #tpu.memory_space<hbm>>
    %dma_wait3A_488 = arith.constant 0 : i32
    %dma_wait3A_489 = arith.constant 0 : i32
    %dma_wait3A_490 = tpu.memref_slice %arg12[%dma_wait3A_474, %dma_wait3A_488, %dma_wait3A_489] : memref<8x8x1024xf32, #tpu.memory_space<vmem>> -> memref<1x8x1024xf32, #tpu.memory_space<vmem>>
    %dma_wait3A_491 = tpu.memref_squeeze %dma_wait3A_490 : memref<1x8x1024xf32, #tpu.memory_space<vmem>> -> memref<8x1024xf32, #tpu.memory_space<vmem>>
    tpu.wait_dma2 semaphore(%arg26 : memref<!tpu.dma_semaphore, #tpu.memory_space<semaphore_mem>>) src(%dma_wait3A_491 : memref<8x1024xf32, #tpu.memory_space<vmem>>) dst(%dma_wait3A_487 : memref<8x1024xf32, #tpu.memory_space<hbm>>)
    %dma_wait3A_492 = arith.constant 5 : i32
    %dma_wait3A_493 = arith.constant 0 : i32
    %dma_wait3A_494 = arith.constant 0 : i32
    %dma_wait3A_495 = arith.constant 0 : i32
    %dma_wait3A_496 = tpu.memref_slice %arg12[%dma_wait3A_492, %dma_wait3A_494, %dma_wait3A_495] : memref<8x8x1024xf32, #tpu.memory_space<vmem>> -> memref<1x8x1024xf32, #tpu.memory_space<vmem>>
    %dma_wait3A_497 = tpu.memref_squeeze %dma_wait3A_496 : memref<1x8x1024xf32, #tpu.memory_space<vmem>> -> memref<8x1024xf32, #tpu.memory_space<vmem>>
    %dma_wait3A_498 = arith.constant 0 : i32
    %dma_wait3A_499 = arith.constant 0 : i32
    %dma_wait3A_500 = tpu.memref_slice %arg6[%dma_wait3A_493, %dma_wait3A_498, %dma_wait3A_499] : memref<4x4096x1024xf32, #tpu.memory_space<hbm>> -> memref<1x8x1024xf32, #tpu.memory_space<hbm>>
    %dma_wait3A_501 = tpu.memref_squeeze %dma_wait3A_500 : memref<1x8x1024xf32, #tpu.memory_space<hbm>> -> memref<8x1024xf32, #tpu.memory_space<hbm>>
    %dma_wait3A_502 = arith.constant 0 : i32
    %dma_wait3A_503 = arith.constant 0 : i32
    %dma_wait3A_504 = tpu.memref_slice %arg6[%dma_wait3A_493, %dma_wait3A_502, %dma_wait3A_503] : memref<4x4096x1024xf32, #tpu.memory_space<hbm>> -> memref<1x8x1024xf32, #tpu.memory_space<hbm>>
    %dma_wait3A_505 = tpu.memref_squeeze %dma_wait3A_504 : memref<1x8x1024xf32, #tpu.memory_space<hbm>> -> memref<8x1024xf32, #tpu.memory_space<hbm>>
    %dma_wait3A_506 = arith.constant 0 : i32
    %dma_wait3A_507 = arith.constant 0 : i32
    %dma_wait3A_508 = tpu.memref_slice %arg12[%dma_wait3A_492, %dma_wait3A_506, %dma_wait3A_507] : memref<8x8x1024xf32, #tpu.memory_space<vmem>> -> memref<1x8x1024xf32, #tpu.memory_space<vmem>>
    %dma_wait3A_509 = tpu.memref_squeeze %dma_wait3A_508 : memref<1x8x1024xf32, #tpu.memory_space<vmem>> -> memref<8x1024xf32, #tpu.memory_space<vmem>>
    tpu.wait_dma2 semaphore(%arg27 : memref<!tpu.dma_semaphore, #tpu.memory_space<semaphore_mem>>) src(%dma_wait3A_509 : memref<8x1024xf32, #tpu.memory_space<vmem>>) dst(%dma_wait3A_505 : memref<8x1024xf32, #tpu.memory_space<hbm>>)
    %dma_wait3A_510 = arith.constant 6 : i32
    %dma_wait3A_511 = arith.constant 0 : i32
    %dma_wait3A_512 = arith.constant 0 : i32
    %dma_wait3A_513 = arith.constant 0 : i32
    %dma_wait3A_514 = tpu.memref_slice %arg12[%dma_wait3A_510, %dma_wait3A_512, %dma_wait3A_513] : memref<8x8x1024xf32, #tpu.memory_space<vmem>> -> memref<1x8x1024xf32, #tpu.memory_space<vmem>>
    %dma_wait3A_515 = tpu.memref_squeeze %dma_wait3A_514 : memref<1x8x1024xf32, #tpu.memory_space<vmem>> -> memref<8x1024xf32, #tpu.memory_space<vmem>>
    %dma_wait3A_516 = arith.constant 0 : i32
    %dma_wait3A_517 = arith.constant 0 : i32
    %dma_wait3A_518 = tpu.memref_slice %arg6[%dma_wait3A_511, %dma_wait3A_516, %dma_wait3A_517] : memref<4x4096x1024xf32, #tpu.memory_space<hbm>> -> memref<1x8x1024xf32, #tpu.memory_space<hbm>>
    %dma_wait3A_519 = tpu.memref_squeeze %dma_wait3A_518 : memref<1x8x1024xf32, #tpu.memory_space<hbm>> -> memref<8x1024xf32, #tpu.memory_space<hbm>>
    %dma_wait3A_520 = arith.constant 0 : i32
    %dma_wait3A_521 = arith.constant 0 : i32
    %dma_wait3A_522 = tpu.memref_slice %arg6[%dma_wait3A_511, %dma_wait3A_520, %dma_wait3A_521] : memref<4x4096x1024xf32, #tpu.memory_space<hbm>> -> memref<1x8x1024xf32, #tpu.memory_space<hbm>>
    %dma_wait3A_523 = tpu.memref_squeeze %dma_wait3A_522 : memref<1x8x1024xf32, #tpu.memory_space<hbm>> -> memref<8x1024xf32, #tpu.memory_space<hbm>>
    %dma_wait3A_524 = arith.constant 0 : i32
    %dma_wait3A_525 = arith.constant 0 : i32
    %dma_wait3A_526 = tpu.memref_slice %arg12[%dma_wait3A_510, %dma_wait3A_524, %dma_wait3A_525] : memref<8x8x1024xf32, #tpu.memory_space<vmem>> -> memref<1x8x1024xf32, #tpu.memory_space<vmem>>
    %dma_wait3A_527 = tpu.memref_squeeze %dma_wait3A_526 : memref<1x8x1024xf32, #tpu.memory_space<vmem>> -> memref<8x1024xf32, #tpu.memory_space<vmem>>
    tpu.wait_dma2 semaphore(%arg28 : memref<!tpu.dma_semaphore, #tpu.memory_space<semaphore_mem>>) src(%dma_wait3A_527 : memref<8x1024xf32, #tpu.memory_space<vmem>>) dst(%dma_wait3A_523 : memref<8x1024xf32, #tpu.memory_space<hbm>>)
    %dma_wait3A_528 = arith.constant 7 : i32
    %dma_wait3A_529 = arith.constant 0 : i32
    %dma_wait3A_530 = arith.constant 0 : i32
    %dma_wait3A_531 = arith.constant 0 : i32
    %dma_wait3A_532 = tpu.memref_slice %arg12[%dma_wait3A_528, %dma_wait3A_530, %dma_wait3A_531] : memref<8x8x1024xf32, #tpu.memory_space<vmem>> -> memref<1x8x1024xf32, #tpu.memory_space<vmem>>
    %dma_wait3A_533 = tpu.memref_squeeze %dma_wait3A_532 : memref<1x8x1024xf32, #tpu.memory_space<vmem>> -> memref<8x1024xf32, #tpu.memory_space<vmem>>
    %dma_wait3A_534 = arith.constant 0 : i32
    %dma_wait3A_535 = arith.constant 0 : i32
    %dma_wait3A_536 = tpu.memref_slice %arg6[%dma_wait3A_529, %dma_wait3A_534, %dma_wait3A_535] : memref<4x4096x1024xf32, #tpu.memory_space<hbm>> -> memref<1x8x1024xf32, #tpu.memory_space<hbm>>
    %dma_wait3A_537 = tpu.memref_squeeze %dma_wait3A_536 : memref<1x8x1024xf32, #tpu.memory_space<hbm>> -> memref<8x1024xf32, #tpu.memory_space<hbm>>
    %dma_wait3A_538 = arith.constant 0 : i32
    %dma_wait3A_539 = arith.constant 0 : i32
    %dma_wait3A_540 = tpu.memref_slice %arg6[%dma_wait3A_529, %dma_wait3A_538, %dma_wait3A_539] : memref<4x4096x1024xf32, #tpu.memory_space<hbm>> -> memref<1x8x1024xf32, #tpu.memory_space<hbm>>
    %dma_wait3A_541 = tpu.memref_squeeze %dma_wait3A_540 : memref<1x8x1024xf32, #tpu.memory_space<hbm>> -> memref<8x1024xf32, #tpu.memory_space<hbm>>
    %dma_wait3A_542 = arith.constant 0 : i32
    %dma_wait3A_543 = arith.constant 0 : i32
    %dma_wait3A_544 = tpu.memref_slice %arg12[%dma_wait3A_528, %dma_wait3A_542, %dma_wait3A_543] : memref<8x8x1024xf32, #tpu.memory_space<vmem>> -> memref<1x8x1024xf32, #tpu.memory_space<vmem>>
    %dma_wait3A_545 = tpu.memref_squeeze %dma_wait3A_544 : memref<1x8x1024xf32, #tpu.memory_space<vmem>> -> memref<8x1024xf32, #tpu.memory_space<vmem>>
    tpu.wait_dma2 semaphore(%arg29 : memref<!tpu.dma_semaphore, #tpu.memory_space<semaphore_mem>>) src(%dma_wait3A_545 : memref<8x1024xf32, #tpu.memory_space<vmem>>) dst(%dma_wait3A_541 : memref<8x1024xf32, #tpu.memory_space<hbm>>)
    %dma_wait3A_546 = arith.constant 0 : i32
    %dma_wait3A_547 = arith.constant 0 : i32
    %dma_wait3A_548 = tpu.memref_slice %arg7[%dma_wait3A_546, %dma_wait3A_547] : memref<4x4096xi32, #tpu.memory_space<hbm>> -> memref<1x512xi32, #tpu.memory_space<hbm>>
    %dma_wait3A_549 = tpu.memref_squeeze %dma_wait3A_548 : memref<1x512xi32, #tpu.memory_space<hbm>> -> memref<512xi32, #tpu.memory_space<hbm>>
    %dma_wait3A_550 = arith.constant 0 : i32
    %dma_wait3A_551 = tpu.memref_slice %arg7[%dma_wait3A_546, %dma_wait3A_550] : memref<4x4096xi32, #tpu.memory_space<hbm>> -> memref<1x512xi32, #tpu.memory_space<hbm>>
    %dma_wait3A_552 = tpu.memref_squeeze %dma_wait3A_551 : memref<1x512xi32, #tpu.memory_space<hbm>> -> memref<512xi32, #tpu.memory_space<hbm>>
    tpu.wait_dma2 semaphore(%arg13 : memref<!tpu.dma_semaphore, #tpu.memory_space<semaphore_mem>>) src(%arg10 : memref<512xi32, #tpu.memory_space<vmem>>) dst(%dma_wait3A_552 : memref<512xi32, #tpu.memory_space<hbm>>)
    %dma_wait3A_553 = arith.constant 0 : i32
    %dma_wait3A_554 = arith.constant 0 : i32
    %dma_wait3A_555 = tpu.memref_slice %arg8[%dma_wait3A_553, %dma_wait3A_554] : memref<4x4096xi32, #tpu.memory_space<hbm>> -> memref<1x512xi32, #tpu.memory_space<hbm>>
    %dma_wait3A_556 = tpu.memref_squeeze %dma_wait3A_555 : memref<1x512xi32, #tpu.memory_space<hbm>> -> memref<512xi32, #tpu.memory_space<hbm>>
    %dma_wait3A_557 = arith.constant 0 : i32
    %dma_wait3A_558 = tpu.memref_slice %arg8[%dma_wait3A_553, %dma_wait3A_557] : memref<4x4096xi32, #tpu.memory_space<hbm>> -> memref<1x512xi32, #tpu.memory_space<hbm>>
    %dma_wait3A_559 = tpu.memref_squeeze %dma_wait3A_558 : memref<1x512xi32, #tpu.memory_space<hbm>> -> memref<512xi32, #tpu.memory_space<hbm>>
    tpu.wait_dma2 semaphore(%arg13 : memref<!tpu.dma_semaphore, #tpu.memory_space<semaphore_mem>>) src(%arg11 : memref<512xi32, #tpu.memory_space<vmem>>) dst(%dma_wait3A_559 : memref<512xi32, #tpu.memory_space<hbm>>)
    return
  }
}

</mosaic_0001>

<sc_bundles>
// kernel: kernel.3.cloned.1.call-start
scs
__scs_entry_jumppad:
0x0: {  	(pc) =	sbr.rel $0x88, $3  }
0x1: {  	(tag) =	ssettag $0x0;
	lr =	simm.s32 $0x1  }
0x2: {  	[smem:$0x3F9D] =	sst lr;
	_ =	strace $0xD0000000  }
0x3: {  	_ = 	snop  }
0x4: {  	_ = 	snop  }
0x5: {  	_ = 	snop  }
0x6: {  	_ = 	snop  }
0x7: {  	_ = 	snop  }
__scs_overlays_trampoline_lowered:
0x8: {  	[smem:$0x3FAC] =	sst s0  }
0x9: {  	[smem:$0x3FAD] =	sst s1  }
0xa: {  	[smem:$0x3FAE] =	sst s2  }
0xb: {  	[smem:$0x3FAF] =	sst s3  }
0xc: {  	[smem:$0x3FB0] =	sst s4  }
0xd: {  	[smem:$0x3FB1] =	sst s5  }
0xe: {  	[smem:$0x3FB2] =	sst s6  }
0xf: {  	[smem:$0x3FB3] =	sst s7  }
0x10: {  	[smem:$0x3FB4] =	sst s8  }
0x11: {  	[smem:$0x3FB5] =	sst s9;
	s0 =	simm.s32 @!p0 $0x0  }
0x12: {  	s1 =	sld [smem:$0x3F9B];
	s0 =	simm.s32 @p0 $0x1  }
0x13: {  	[smem:$0x3FB6] =	sst s0;
	s0 =	simm.s32 @!p1 $0x0  }
0x14: {  	s2 =	sld [smem:$0x3F9A];
	s0 =	simm.s32 @p1 $0x1  }
0x15: {  	[smem:$0x3FB7] =	sst s0;
	s0 =	simm.s32 @!p2 $0x0  }
0x16: {  	s3 =	sld [smem:$0x3FDB];
	s0 =	simm.s32 @p2 $0x1  }
0x17: {  	s4 =	simm.s32 $0x1BF5;
	[smem:$0x3FB9] =	sst s0  }
0x18: {  	s0 =	sld [smem:$0x3F9C];
	_ =	swait.ge [sflag:s4], $0x0  }
0x19: {  	s7 =	sld [smem:$0x3F9D]  }
0x1a: {  	s8 =	sadd.s32 $0xFFFFE003, lr  }
0x1b: {  	s9 =	sadd.s32 $0xFFFFFEF7, lr;
	s5 =	simm.s32 $0xFFFFFFFF;
	p2 =	slt.u32 s8, $0xFFFFF086  }
0x1c: {  	p1 =	slt.u32 s9, $0xF7A;
	s5 =	simm.s32 @!p2 $0x0  }
0x1d: {  	s5 =	simm.s32 @p1 $0x1;
	p0 =	seq.s32 s7, s2  }
0x1e: {  	s7 =	smul.u32 @!p0 $0xF7A, s2;
	p2 =	seq.s32 @!p0 s5, $0x0  }
0x1f: {  	s9 =	smul.u32 $0xF7A, s1;
	s8 =	simm.s32 @!p0 $0x1BF5;
	p2 =	por !p2, p0  }
0x20: {  	[sflag:s8] =	ssyncset.s32 @!p0 $0xFFFFF086;
	s6 =	sadd.s32 @!p0 s3, s7;
	s7 =	simm.s32 @!p0 $0x108  }
0x21: {  	s3 =	sadd.s32 s3, s9;
	s6 =	sadd.s32 @!p0 $0x88, s6;
	s7 =	simm.s32 @p2 $0x1082  }
0x22: {  	[simem:s7], [sflag:s8] =	dma.local @!p0 [hbm:s6], $0xF7A  }
0x23: {  	s9 =	sor.u32 $0xD0000000, s2;
	s6 =	simm.s32 $0x108;
	_ =	swait.ge @!p0 [sflag:s8], $0x0  }
0x24: {  	s3 =	sadd.s32 $0x88, s3;
	s6 =	simm.s32 @!p1 $0x1082;
	[sflag:s4] =	ssyncset.s32 $0xFFFFF086  }
0x25: {  	[simem:s6], [sflag:s4] =	dma.local [hbm:s3], $0xF7A  }
0x26: {  	[smem:$0x3F9D] =	sst s1;
	(tag) =	ssettag s2;
	_ =	strace s9  }
0x27: {  	s1 =	sld [smem:$0x3FAD]  }
0x28: {  	s2 =	sld [smem:$0x3FAE]  }
0x29: {  	s4 =	sld [smem:$0x3FB0]  }
0x2a: {  	p0 =	seq.s32 s5, $0x0;
	s5 =	sld [smem:$0x3FB1]  }
0x2b: {  	s6 =	sld [smem:$0x3FB2]  }
0x2c: {  	s7 =	sld [smem:$0x3FB3]  }
0x2d: {  	s3 =	simm.s32 $0x108;
	s8 =	sld [smem:$0x3FB4]  }
0x2e: {  	s3 =	simm.s32 @!p0 $0x1082;
	s9 =	sld [smem:$0x3FB5]  }
0x2f: {  	lr =	sadd.s32 s0, s3;
	s0 =	sld [smem:$0x3FAC]  }
0x30: {  	s3 =	sld [smem:$0x3FAF]  }
0x31: {  	[smem:$0x3FB8] =	sst s10  }
0x32: {  	s10 =	sld [smem:$0x3FB6];
	_ =	sdelay $0x3  }
0x33: {  	p0 =	seq.s32 s10, $0x1;
	s10 =	sld [smem:$0x3FB8];
	_ =	sdelay $0x3  }
0x34: {  	[smem:$0x3FB8] =	sst s10  }
0x35: {  	s10 =	sld [smem:$0x3FB7];
	_ =	sdelay $0x3  }
0x36: {  	p1 =	seq.s32 s10, $0x1;
	s10 =	sld [smem:$0x3FB8];
	_ =	sdelay $0x3  }
0x37: {  	[smem:$0x3FB8] =	sst s10  }
0x38: {  	s10 =	sld [smem:$0x3FB9]  }
0x39: {  	_ = 	snop;
	(pc) =	sbr.ind lr, $3  }
0x3a: {  	_ = 	snop  }
0x3b: {  	_ = 	snop  }
0x3c: {  	p2 =	seq.s32 s10, $0x1;
	s10 =	sld [smem:$0x3FB8]  }
0x3d: {  	_ =	shalt  }
0x3e: {  	_ =	shalt  }
0x3f: {  	_ =	shalt  }
0x40: {  	_ =	shalt  }
0x41: {  	_ =	shalt  }
0x42: {  	_ =	shalt  }
0x43: {  	_ =	shalt  }
0x44: {  	_ =	shalt  }
0x45: {  	_ =	shalt  }
0x46: {  	_ =	shalt  }
0x47: {  	_ =	shalt  }
0x48: {  	_ =	shalt  }
0x49: {  	_ =	shalt  }
0x4a: {  	_ =	shalt  }
0x4b: {  	_ =	shalt  }
0x4c: {  	_ =	shalt  }
0x4d: {  	_ =	shalt  }
0x4e: {  	_ =	shalt  }
0x4f: {  	_ =	shalt  }
0x50: {  	_ =	shalt  }
0x51: {  	_ =	shalt  }
0x52: {  	_ =	shalt  }
0x53: {  	_ =	shalt  }
0x54: {  	_ =	shalt  }
0x55: {  	_ =	shalt  }
0x56: {  	_ =	shalt  }
0x57: {  	_ =	shalt  }
0x58: {  	_ =	shalt  }
0x59: {  	_ =	shalt  }
0x5a: {  	_ =	shalt  }
0x5b: {  	_ =	shalt  }
0x5c: {  	_ =	shalt  }
0x5d: {  	_ =	shalt  }
0x5e: {  	_ =	shalt  }
0x5f: {  	_ =	shalt  }
0x60: {  	_ =	shalt  }
0x61: {  	_ =	shalt  }
0x62: {  	_ =	shalt  }
0x63: {  	_ =	shalt  }
0x64: {  	_ =	shalt  }
0x65: {  	_ =	shalt  }
0x66: {  	_ =	shalt  }
0x67: {  	_ =	shalt  }
0x68: {  	_ =	shalt  }
0x69: {  	_ =	shalt  }
0x6a: {  	_ =	shalt  }
0x6b: {  	_ =	shalt  }
0x6c: {  	_ =	shalt  }
0x6d: {  	_ =	shalt  }
0x6e: {  	_ =	shalt  }
0x6f: {  	_ =	shalt  }
0x70: {  	_ =	shalt  }
0x71: {  	_ =	shalt  }
0x72: {  	_ =	shalt  }
0x73: {  	_ =	shalt  }
0x74: {  	_ =	shalt  }
0x75: {  	_ =	shalt  }
0x76: {  	_ =	shalt  }
0x77: {  	_ =	shalt  }
0x78: {  	_ =	shalt  }
0x79: {  	_ =	shalt  }
0x7a: {  	_ =	shalt  }
0x7b: {  	_ =	shalt  }
0x7c: {  	_ =	shalt  }
0x7d: {  	_ =	shalt  }
0x7e: {  	_ =	shalt  }
0x7f: {  	_ =	shalt  }
0x80: {  	_ =	shalt  }
0x81: {  	_ =	shalt  }
0x82: {  	_ =	shalt  }
0x83: {  	_ =	shalt  }
0x84: {  	_ =	shalt  }
0x85: {  	_ =	shalt  }
0x86: {  	_ =	shalt  }
0x87: {  	_ =	shalt  }
.Lfunc_end0:
.L_simem_size_0:
called_computation_lowered:
.L_overlay_start_0:
0x88: {  	s2 =	sld [smem:$0x3FD9]  }
0x89: {  	s3 =	sld [smem:$0x3FFE];
	_ =	sdelay $0x1  }
0x8a: {  	s1 =	srdreg.scid  }
0x8b: {  	s0 =	sand.u32 $0x1, s1  }
0x8c: {  	s15 =	sshll.u32 s0, $0xA;
	s2 =	sadd.s32 s3, s2  }
0x8d: {  	s2 =	sadd.s32 s2, s15  }
0x8e: {  	[smem:$0x3FC4] =	sst s2  }
0x8f: {  	_ = 	snop  }
0x90: {  	s2 =	sld [smem:$0x3FC9]  }
0x91: {  	s16 =	sld [smem:$0x3FD0]  }
0x92: {  	s4 =	sld [smem:$0x3FC8]  }
0x93: {  	s5 =	sld [smem:$0x3FC7]  }
0x94: {  	s7 =	simm.s32 $0xA;
	s8 =	simm.s32 $0x10;
	s6 =	sld [smem:$0x3FC6]  }
0x95: {  	[smem:s8], [sflag:s7] =	dma.local [hbm:s16], $0x1  }
0x96: {  	_ =	swait.eq [sflag:s7], $0x1  }
0x97: {  	s17 =	sld [smem:$0x10];
	[sflag:s7] =	ssyncset.done $0x0  }
0x98: {  	s18 =	sld [smem:$0x11];
	[sflag:s7] =	ssyncadd.s32 $0xFFFFFFFF  }
0x99: {  	s19 =	sld [smem:$0x12];
	(tm) =	ssettm $0x1  }
0x9a: {  	s9 =	sld [smem:$0x3FFB];
	_ =	sdelay $0x3  }
0x9b: {  	_ =	strace s9  }
0x9c: {  	s9 =	sld [smem:$0x3FFC];
	_ =	sdelay $0x3  }
0x9d: {  	_ =	strace s9  }
0x9e: {  	s9 =	sld [smem:$0x3FFD];
	_ =	sdelay $0x3  }
0x9f: {  	_ =	strace s9  }
0xa0: {  	_ =	strace $0x8FFFFFFF  }
0xa1: {  	s20 =	sld [smem:$0x3FDB];
	_ =	sdelay $0x1  }
0xa2: {  	s10 =	simm.s32 $_scs_section_size  }
0xa3: {  	s11 =	simm.s32 $_size__tile_overlayer_lowered;
	s12 =	simm.s32 $_tile_overlayer_lowered  }
0xa4: {  	s23 =	simm.s32 $0x1BFF;
	s22 =	sshll.u32 s12, $0x1;
	s9 =	sadd.s32 s10, s20  }
0xa5: {  	s13 =	simm.s32 $0x0;
	s21 =	sshll.u32 s11, $0x1;
	s11 =	sadd.s32 s22, s9  }
0xa6: {  	[timem:s13], [sflag:s23] =	dma.local [hbm:s11], s21  }
0xa7: {  	_ =	swait.ge [sflag:s23], s21  }
0xa8: {  	s10 =	ssub.s32 $0x0, s21;
	[sflag:s23] =	ssyncset.done $0x0  }
0xa9: {  	[sflag:s23] =	ssyncadd.s32 s10;
	_ =	sdelay $0x1  }
0xaa: {  	s24 =	simm.s32 $0x1B8B  }
0xab: {  	_ =	swait.ge [sflag:s24], $0x1  }
0xac: {  	[sflag:s24] =	ssyncset.done $0x0  }
0xad: {  	s25 =	simm.s32 $0x1B8E;
	[sflag:s24] =	ssyncadd.s32 $0xFFFFFFFF  }
0xae: {  	s26 =	simm.s32 $execute0_lowered;
	[smem:$0x3FD2] =	sst s25  }
0xaf: {  	s10 =	sshll.u32 s26, $0x1;
	_ =	strace $0x80000046;
	[dreg:$0x1] =	wrdreg $0xFFFFFFFF  }
0xb0: {  	s28 =	simm.s32 $_size_execute0_lowered;
	s9 =	sadd.s32 s9, s10;
	[dreg:$0x0] =	wrdreg $0x0  }
0xb1: {  	s10 =	sshll.u32 s28, $0x1;
	[dreg:$0x2] =	wrdreg s9  }
0xb2: {  	[dreg:$0x3] =	wrdreg s10  }
0xb3: {  	[dreg:$0x4] =	wrdreg $0xC0  }
0xb4: {  	_ =	task [dreg:s13], $0x5FFFF  }
0xb5: {  	[dreg:$0x1] =	wrdreg $0xFFFFFFFF  }
0xb6: {  	[dreg:$0x0] =	wrdreg $0x60  }
0xb7: {  	[dreg:$0x2] =	wrdreg s2  }
0xb8: {  	[dreg:$0x3] =	wrdreg s4  }
0xb9: {  	[dreg:$0x4] =	wrdreg s5  }
0xba: {  	[dreg:$0x5] =	wrdreg s6  }
0xbb: {  	[dreg:$0x6] =	wrdreg s17  }
0xbc: {  	[dreg:$0x7] =	wrdreg s18  }
0xbd: {  	[dreg:$0x8] =	wrdreg s19  }
0xbe: {  	[dreg:$0x9] =	wrdreg $0x9  }
0xbf: {  	_ =	task.clear_ibuf [dreg:s13], $0xAFFFF;
	_ =	strace $0x90000046  }
0xc0: {  	s29 =	simm.s32 $0x9;
	_ =	strace $0x80000048  }
0xc1: {  	_ =	swait.ge [sflag:s29], $0x1  }
0xc2: {  	[sflag:s29] =	ssyncadd.s32 $0xFFFFFFFF  }
0xc3: {  	_ =	strace $0x90000048  }
0xc4: {  	_ =	sfence  }
0xc5: {  	s30 =	sld [smem:$0x0];
	_ =	sdelay $0x2  }
0xc6: {  	s31 =	sshll.u32 s1, $0xD;
	s1 =	sshrl.u32 s1, $0x2  }
0xc7: {  	s3 =	sand.u32 $0x4000, s31;
	s1 =	sadd.s32 s1, s30  }
0xc8: {  	s0 =	sor.u32 s3, s0;
	s1 =	sshll.u32 s1, $0x11  }
0xc9: {  	s0 =	sor.u32 s1, s0  }
0xca: {  	s0 =	sadd.s32 $0x8F2B, s0  }
0xcb: {  	[sflag:s0] =	ssyncadd.remote.s32 $0x1  }
0xcc: {  	_ =	sfence.sel $0xFFFF  }
0xcd: {  	[dreg:$0x0] =	wrdreg $0xFFFFFFFF;
	(pc) =	sbr.abs _section_cstart, $3  }
0xce: {  	[dreg:$0x1] =	wrdreg $0xFFFFFFFF  }
0xcf: {  	_ =	task.clear_ibuf [dreg:s13], $0x2FFFF;
	_ =	strace $0x9FFFFFFF  }
0xd0: {  	(tm) =	ssettm $0x7FFFFFFF  }
0xd1: {  	_ =	shalt  }
tec
execute0_lowered:
.L_overlay_start_1:
0x0: {  	(tag) =	ssettag $0x1  }
0x1: {  	s2 =	rddreg [dreg:$0x0]  }
0x2: {  	s4 =	rddreg [dreg:$0x1]  }
0x3: {  	s5 =	rddreg [dreg:$0x2]  }
0x4: {  	s1 =	rddreg [dreg:$0x3]  }
0x5: {  	s0 =	rddreg [dreg:$0x4]  }
0x6: {  	s6 =	rddreg [dreg:$0x5]  }
0x7: {  	s15 =	stileid.u32;
	s10 =	rddreg [dreg:$0x6]  }
0x8: {  	s3 =	srdreg.scid;
	s28 =	simm.s32 $0x8E00;
	s30 =	simm.s32 $0xAE00  }
0x9: {  	s29 =	simm.s32 $0xD;
	s31 =	simm.s32 $0xE;
	s7 =	sshll.u32 s15, $0x1  }
0xa: {  	s11 =	sand.u32 $0x1, s3;
	s3 =	simm.s32 $0x0;
	s8 =	sshrl.u32 s15, $0x2  }
0xb: {  	s15 =	sand.u32 $0x3, s15;
	s7 =	sand.u32 $0x6, s7;
	s9 =	ssub.s32 $0x2, s11  }
0xc: {  	s13 =	sshll.u32 s8, $0x4;
	[smem:$0x7FF] =	sst s3;
	s26 =	sshll.u32 s8, $0x16  }
0xd: {  	s8 =	sadd.s32 $0x200, s1;
	s16 =	sshll.u32 s15, $0x14;
	s7 =	sor.u32 s11, s7  }
0xe: {  	s18 =	sshll.u32 s11, $0x13;
	s14 =	sshrl.u32 s9, $0x1;
	s12 =	sshll.u32 s7, $0x8  }
0xf: {  	_ =	strace $0x80000047;
	s12 =	sor.u32 s13, s12;
	s13 =	ssub.s32 s9, s14  }
0x10: {  	s14 =	sshll.u32 s7, $0x13;
	s7 =	sadd.s32 $0x100, s1;
	s2 =	sadd.s32 s2, s12  }
0x11: {  	s9 =	sadd.s32 $0x300, s1;
	s25 =	sadd.s32 s4, s12;
	[dreg:$0x10] =	wrdreg s2  }
0x12: {  	s5 =	sadd.s32 s5, s12;
	s4 =	sor.u32 s26, s14;
	[dreg:$0x11] =	wrdreg s25  }
0x13: {  	s21 =	sadd.s32 s6, s12;
	s22 =	sadd.s32 s10, s12;
	[dreg:$0x12] =	wrdreg s5  }
0x14: {  	s4 =	sshrl.u32 s4, $0x3;
	s2 =	sor.u32 s16, s26;
	[dreg:$0x17] =	wrdreg s21  }
0x15: {  	[dreg:$0x18] =	wrdreg s22;
	s14 =	sadd.s32 s0, s4;
	s2 =	sor.u32 s18, s2  }
0x16: {  	s17 =	sadd.s32 $0x400, s14;
	s19 =	sadd.s32 $0x800, s14;
	[dreg:$0x13] =	wrdreg s14  }
0x17: {  	s20 =	sadd.s32 $0xC00, s14;
	s23 =	sor.u32 $0x8000, s2;
	[dreg:$0x14] =	wrdreg s17  }
0x18: {  	s24 =	sadd.s32 $0xF000, s14;
	s25 =	sor.u32 $0x10000, s2;
	[dreg:$0x15] =	wrdreg s19  }
0x19: {  	s26 =	sadd.s32 $0xF400, s14;
	s10 =	sor.u32 $0xA000, s2;
	[dreg:$0x16] =	wrdreg s20  }
0x1a: {  	s12 =	sor.u32 $0x12000, s2;
	s15 =	sor.u32 $0x16000, s2;
	[dreg:$0x19] =	wrdreg s24  }
0x1b: {  	s21 =	sor.u32 $0xC000, s2;
	s4 =	sshrl.u32 s23, $0x3;
	[dreg:$0x1a] =	wrdreg s26  }
0x1c: {  	s5 =	sshrl.u32 s25, $0x3;
	s11 =	sshrl.u32 s10, $0x3;
	s17 =	sshrl.u32 s15, $0x3  }
0x1d: {  	s19 =	sor.u32 $0xE000, s2;
	s2 =	sor.u32 $0x14000, s2;
	s23 =	sadd.s32 $0xF800, s14  }
0x1e: {  	s24 =	sadd.s32 $0xFC00, s14;
	s25 =	smax.u32 s13, $0x1;
	s10 =	simm.s32 $0x8600  }
0x1f: {  	s26 =	simm.s32 $0x0;
	s15 =	simm.s32 $0x6;
	s4 =	sadd.s32 s4, s0  }
0x20: {  	s6 =	sadd.s32 s5, s0;
	s5 =	sshrl.u32 s12, $0x3;
	[dreg:$0x1b] =	wrdreg s23  }
0x21: {  	s18 =	sadd.s32 s17, s0;
	s20 =	sshrl.u32 s19, $0x3;
	[dreg:$0x1c] =	wrdreg s24  }
0x22: {  	s2 =	sshrl.u32 s2, $0x3;
	[dreg:$0x1d] =	wrdreg s25;
	s17 =	simm.s32 $0x3  }
0x23: {  	s12 =	simm.s32 $0xCE00;
	s25 =	simm.s32 $0xE600;
	[dreg:$0x1e] =	wrdreg s26  }
0x24: {  	s24 =	simm.s32 $0x7;
	s19 =	simm.s32 $0xB;
	[dreg:$0x8] =	wrdreg s4  }
0x25: {  	s23 =	simm.s32 $0x8;
	[dreg:$0x9] =	wrdreg s6;
	s4 =	sadd.s32 s11, s0  }
0x26: {  	s16 =	sadd.s32 s5, s0;
	[dreg:$0xc] =	wrdreg s18;
	s5 =	sshrl.u32 s21, $0x3  }
0x27: {  	s18 =	simm.s32 $0xA;
	s21 =	simm.s32 $0xC;
	[dreg:$0xa] =	wrdreg s4  }
0x28: {  	[dreg:$0xb] =	wrdreg s16;
	s4 =	sadd.s32 s20, s0;
	s22 =	sadd.s32 s5, s0  }
0x29: {  	v0 =	vlaneseq.u32;
	s0 =	sadd.s32 s2, s0;
	s16 =	simm.s32 $0x2;
	[dreg:$0xd] =	wrdreg s4  }
0x2a: {  	v1 =	vshrl.u32 v0, $0x3;
	s5 =	simm.s32 $0xA600;
	s20 =	simm.s32 $0xEE00;
	[dreg:$0xe] =	wrdreg s22  }
0x2b: {  	vm0 =	vmmov $0xffff;
	v0 =	vand.u32 $0x7, v0;
	v1 =	vmul.u32 $0x8, v1;
	[dreg:$0xf] =	wrdreg s0;
	s4 =	simm.s32 $0xC600;
	s22 =	simm.s32 $0x9  }
.LBB2_1:
0x2c: {  	s11 =	rddreg [dreg:$0x10]  }
0x2d: {  	s2 =	simm.s32 $0x80;
	s0 =	simm.s32 $0x200;
	s26 =	simm.s32 $0x12  }
0x2e: {  	[tilespmem:s3], [sflag:$0x12] =	stream.strided.gather [hbm4b:s11+s2], $0x200, s0, s2, $0x38;
	[tilespmem:$0x10600] =	vst v63  }
0x2f: {  	_ =	swait.ge [sflag:s26], $0x200  }
0x30: {  	[sflag:s26] =	ssyncset.done $0x0  }
0x31: {  	s6 =	rddreg [dreg:$0x11];
	[sflag:s26] =	ssyncadd.s32 $0xFFFFFE00  }
0x32: {  	[tilespmem:s0], [sflag:$0x1] =	stream.strided.gather [hbm4b:s6+s2], $0x200, s0, s2, $0x38;
	[tilespmem:$0x10600] =	vst v63  }
0x33: {  	s14 =	rddreg [dreg:$0x12];
	s6 =	simm.s32 $0x400  }
0x34: {  	[tilespmem:s6], [sflag:$0x1] =	stream.strided.gather [hbm4b:s14+s2], $0x200, s0, s2, $0x38;
	[tilespmem:$0x10600] =	vst v63  }
0x35: {  	v2 =	vld.msk [tilespmem:$0x0], $0xff;
	_ =	sdelay $0x4  }
0x36: {  	v3 =	vshll.u32 v2, $0x3  }
0x37: {  	v2 =	vand.u32 $0x7, v2;
	v3 =	vand.u32 $0xFFFFFFC0, v3  }
0x38: {  	v2 =	vor.u32 v2, v3  }
0x39: {  	v2 =	vperm.xlane v2, v0;
	_ =	sdelay $0x1  }
0x3a: {  	v2 =	vadd.s32 v1, v2;
	_ =	sdelay $0x3  }
0x3b: {  	s14 =	simm.s32 $0x600  }
0x3c: {  	[tilespmem:s14], [sflag:$0x2] =	stream.indirect_vreg.gather [hbm4b:s1+s3], $0x80, v2, vm0, $0xb8;
	[tilespmem:$0x10600] =	vst v63  }
0x3d: {  	s26 =	simm.s32 $0xE00  }
0x3e: {  	[tilespmem:s26], [sflag:$0x2] =	stream.indirect_vreg.gather [hbm4b:s7+s3], $0x80, v2, vm0, $0xb8;
	[tilespmem:$0x10600] =	vst v63  }
0x3f: {  	s0 =	simm.s32 $0x1600  }
0x40: {  	[tilespmem:s0], [sflag:$0x2] =	stream.indirect_vreg.gather [hbm4b:s8+s3], $0x80, v2, vm0, $0xb8;
	[tilespmem:$0x10600] =	vst v63  }
0x41: {  	s2 =	simm.s32 $0x1E00  }
0x42: {  	[tilespmem:s2], [sflag:$0x2] =	stream.indirect_vreg.gather [hbm4b:s9+s3], $0x80, v2, vm0, $0xb8;
	[tilespmem:$0x10600] =	vst v63  }
0x43: {  	v2 =	vld.msk [tilespmem:$0x8], $0xff;
	_ =	sdelay $0x4  }
0x44: {  	v3 =	vshll.u32 v2, $0x3  }
0x45: {  	v2 =	vand.u32 $0x7, v2;
	v3 =	vand.u32 $0xFFFFFFC0, v3  }
0x46: {  	v2 =	vor.u32 v2, v3  }
0x47: {  	v2 =	vperm.xlane v2, v0;
	_ =	sdelay $0x1  }
0x48: {  	v2 =	vadd.s32 v1, v2;
	_ =	sdelay $0x3  }
0x49: {  	s2 =	simm.s32 $0x2600  }
0x4a: {  	[tilespmem:s2], [sflag:$0x3] =	stream.indirect_vreg.gather [hbm4b:s1+s3], $0x80, v2, vm0, $0xb8;
	[tilespmem:$0x10600] =	vst v63  }
0x4b: {  	s6 =	simm.s32 $0x2E00  }
0x4c: {  	[tilespmem:s6], [sflag:$0x3] =	stream.indirect_vreg.gather [hbm4b:s7+s3], $0x80, v2, vm0, $0xb8;
	[tilespmem:$0x10600] =	vst v63  }
0x4d: {  	s26 =	simm.s32 $0x3600  }
0x4e: {  	[tilespmem:s26], [sflag:$0x3] =	stream.indirect_vreg.gather [hbm4b:s8+s3], $0x80, v2, vm0, $0xb8;
	[tilespmem:$0x10600] =	vst v63  }
0x4f: {  	s0 =	simm.s32 $0x3E00  }
0x50: {  	[tilespmem:s0], [sflag:$0x3] =	stream.indirect_vreg.gather [hbm4b:s9+s3], $0x80, v2, vm0, $0xb8;
	[tilespmem:$0x10600] =	vst v63  }
0x51: {  	v2 =	vld.msk [tilespmem:$0x10], $0xff;
	_ =	sdelay $0x4  }
0x52: {  	v3 =	vshll.u32 v2, $0x3  }
0x53: {  	v2 =	vand.u32 $0x7, v2;
	v3 =	vand.u32 $0xFFFFFFC0, v3  }
0x54: {  	v2 =	vor.u32 v2, v3  }
0x55: {  	v2 =	vperm.xlane v2, v0;
	_ =	sdelay $0x1  }
0x56: {  	v2 =	vadd.s32 v1, v2;
	_ =	sdelay $0x3  }
0x57: {  	s26 =	simm.s32 $0x4600  }
0x58: {  	[tilespmem:s26], [sflag:$0x4] =	stream.indirect_vreg.gather [hbm4b:s1+s3], $0x80, v2, vm0, $0xb8;
	[tilespmem:$0x10600] =	vst v63  }
0x59: {  	s6 =	simm.s32 $0x4E00  }
0x5a: {  	[tilespmem:s6], [sflag:$0x4] =	stream.indirect_vreg.gather [hbm4b:s7+s3], $0x80, v2, vm0, $0xb8;
	[tilespmem:$0x10600] =	vst v63  }
0x5b: {  	s11 =	simm.s32 $0x5600  }
0x5c: {  	[tilespmem:s11], [sflag:$0x4] =	stream.indirect_vreg.gather [hbm4b:s8+s3], $0x80, v2, vm0, $0xb8;
	[tilespmem:$0x10600] =	vst v63  }
0x5d: {  	s6 =	simm.s32 $0x5E00  }
0x5e: {  	[tilespmem:s6], [sflag:$0x4] =	stream.indirect_vreg.gather [hbm4b:s9+s3], $0x80, v2, vm0, $0xb8;
	[tilespmem:$0x10600] =	vst v63  }
0x5f: {  	v2 =	vld.msk [tilespmem:$0x18], $0xff;
	_ =	sdelay $0x4  }
0x60: {  	v3 =	vshll.u32 v2, $0x3  }
0x61: {  	v2 =	vand.u32 $0x7, v2;
	v3 =	vand.u32 $0xFFFFFFC0, v3  }
0x62: {  	v2 =	vor.u32 v2, v3  }
0x63: {  	v2 =	vperm.xlane v2, v0;
	_ =	sdelay $0x1  }
0x64: {  	v2 =	vadd.s32 v1, v2;
	_ =	sdelay $0x3  }
0x65: {  	s6 =	simm.s32 $0x6600  }
0x66: {  	[tilespmem:s6], [sflag:$0x5] =	stream.indirect_vreg.gather [hbm4b:s1+s3], $0x80, v2, vm0, $0xb8;
	[tilespmem:$0x10600] =	vst v63  }
0x67: {  	s11 =	simm.s32 $0x6E00  }
0x68: {  	[tilespmem:s11], [sflag:$0x5] =	stream.indirect_vreg.gather [hbm4b:s7+s3], $0x80, v2, vm0, $0xb8;
	[tilespmem:$0x10600] =	vst v63  }
0x69: {  	s11 =	simm.s32 $0x7600  }
0x6a: {  	[tilespmem:s11], [sflag:$0x5] =	stream.indirect_vreg.gather [hbm4b:s8+s3], $0x80, v2, vm0, $0xb8;
	[tilespmem:$0x10600] =	vst v63  }
0x6b: {  	s11 =	simm.s32 $0x7E00  }
0x6c: {  	[tilespmem:s11], [sflag:$0x5] =	stream.indirect_vreg.gather [hbm4b:s9+s3], $0x80, v2, vm0, $0xb8;
	[tilespmem:$0x10600] =	vst v63  }
0x6d: {  	_ =	swait.ge [sflag:s16], $0x2000  }
0x6e: {  	[sflag:s16] =	ssyncset.done $0x0  }
0x6f: {  	s0 =	rddreg [dreg:$0x13];
	[sflag:s16] =	ssyncadd.s32 $0xFFFFE000  }
0x70: {  	[hbm4b:s0+s3] =	stream.linear.scatter [tilespmem:s14], [sflag:$0xA], $0x2000, $0x38;
	[tilespmem:$0x10600] =	vst v63  }
0x71: {  	v2 =	vld.msk [tilespmem:$0x20], $0xff;
	_ =	sdelay $0x4  }
0x72: {  	v3 =	vshll.u32 v2, $0x3  }
0x73: {  	v2 =	vand.u32 $0x7, v2;
	v3 =	vand.u32 $0xFFFFFFC0, v3  }
0x74: {  	v2 =	vor.u32 v2, v3  }
0x75: {  	v2 =	vperm.xlane v2, v0;
	_ =	sdelay $0x1  }
0x76: {  	v2 =	vadd.s32 v1, v2;
	_ =	sdelay $0x4  }
0x77: {  	[tilespmem:s10], [sflag:$0x6] =	stream.indirect_vreg.gather [hbm4b:s1+s3], $0x80, v2, vm0, $0xb8;
	[tilespmem:$0x10600] =	vst v63  }
0x78: {  	_ = 	snop  }
0x79: {  	[tilespmem:s28], [sflag:$0x6] =	stream.indirect_vreg.gather [hbm4b:s7+s3], $0x80, v2, vm0, $0xb8;
	[tilespmem:$0x10600] =	vst v63  }
0x7a: {  	s14 =	simm.s32 $0x9600  }
0x7b: {  	[tilespmem:s14], [sflag:$0x6] =	stream.indirect_vreg.gather [hbm4b:s8+s3], $0x80, v2, vm0, $0xb8;
	[tilespmem:$0x10600] =	vst v63  }
0x7c: {  	s16 =	simm.s32 $0x9E00  }
0x7d: {  	[tilespmem:s16], [sflag:$0x6] =	stream.indirect_vreg.gather [hbm4b:s9+s3], $0x80, v2, vm0, $0xb8;
	[tilespmem:$0x10600] =	vst v63  }
0x7e: {  	_ =	swait.ge [sflag:s17], $0x2000  }
0x7f: {  	[sflag:s17] =	ssyncset.done $0x0  }
0x80: {  	s28 =	rddreg [dreg:$0x14];
	[sflag:s17] =	ssyncadd.s32 $0xFFFFE000  }
0x81: {  	[hbm4b:s28+s3] =	stream.linear.scatter [tilespmem:s2], [sflag:$0xB], $0x2000, $0x38;
	[tilespmem:$0x10600] =	vst v63  }
0x82: {  	v2 =	vld.msk [tilespmem:$0x28], $0xff;
	_ =	sdelay $0x4  }
0x83: {  	v3 =	vshll.u32 v2, $0x3  }
0x84: {  	v2 =	vand.u32 $0x7, v2;
	v3 =	vand.u32 $0xFFFFFFC0, v3  }
0x85: {  	v2 =	vor.u32 v2, v3  }
0x86: {  	v2 =	vperm.xlane v2, v0;
	_ =	sdelay $0x1  }
0x87: {  	v2 =	vadd.s32 v1, v2;
	_ =	sdelay $0x4  }
0x88: {  	[tilespmem:s5], [sflag:$0x7] =	stream.indirect_vreg.gather [hbm4b:s1+s3], $0x80, v2, vm0, $0xb8;
	[tilespmem:$0x10600] =	vst v63  }
0x89: {  	_ = 	snop  }
0x8a: {  	[tilespmem:s30], [sflag:$0x7] =	stream.indirect_vreg.gather [hbm4b:s7+s3], $0x80, v2, vm0, $0xb8;
	[tilespmem:$0x10600] =	vst v63  }
0x8b: {  	s30 =	simm.s32 $0xB600  }
0x8c: {  	[tilespmem:s30], [sflag:$0x7] =	stream.indirect_vreg.gather [hbm4b:s8+s3], $0x80, v2, vm0, $0xb8;
	[tilespmem:$0x10600] =	vst v63  }
0x8d: {  	s0 =	simm.s32 $0x4;
	s2 =	simm.s32 $0xBE00  }
0x8e: {  	[tilespmem:s2], [sflag:$0x7] =	stream.indirect_vreg.gather [hbm4b:s9+s3], $0x80, v2, vm0, $0xb8;
	[tilespmem:$0x10600] =	vst v63  }
0x8f: {  	_ =	swait.ge [sflag:s0], $0x2000  }
0x90: {  	[sflag:s0] =	ssyncset.done $0x0  }
0x91: {  	s5 =	rddreg [dreg:$0x15];
	[sflag:s0] =	ssyncadd.s32 $0xFFFFE000  }
0x92: {  	[hbm4b:s5+s3] =	stream.linear.scatter [tilespmem:s26], [sflag:$0xC], $0x2000, $0x38;
	[tilespmem:$0x10600] =	vst v63  }
0x93: {  	v2 =	vld.msk [tilespmem:$0x30], $0xff;
	_ =	sdelay $0x4  }
0x94: {  	v3 =	vshll.u32 v2, $0x3  }
0x95: {  	v2 =	vand.u32 $0x7, v2;
	v3 =	vand.u32 $0xFFFFFFC0, v3  }
0x96: {  	v2 =	vor.u32 v2, v3  }
0x97: {  	v2 =	vperm.xlane v2, v0;
	_ =	sdelay $0x1  }
0x98: {  	v2 =	vadd.s32 v1, v2;
	_ =	sdelay $0x4  }
0x99: {  	[tilespmem:s4], [sflag:$0x8] =	stream.indirect_vreg.gather [hbm4b:s1+s3], $0x80, v2, vm0, $0xb8;
	[tilespmem:$0x10600] =	vst v63  }
0x9a: {  	_ = 	snop  }
0x9b: {  	[tilespmem:s12], [sflag:$0x8] =	stream.indirect_vreg.gather [hbm4b:s7+s3], $0x80, v2, vm0, $0xb8;
	[tilespmem:$0x10600] =	vst v63  }
0x9c: {  	s10 =	simm.s32 $0xD600  }
0x9d: {  	[tilespmem:s10], [sflag:$0x8] =	stream.indirect_vreg.gather [hbm4b:s8+s3], $0x80, v2, vm0, $0xb8;
	[tilespmem:$0x10600] =	vst v63  }
0x9e: {  	s11 =	simm.s32 $0xDE00;
	s14 =	simm.s32 $0x5  }
0x9f: {  	[tilespmem:s11], [sflag:$0x8] =	stream.indirect_vreg.gather [hbm4b:s9+s3], $0x80, v2, vm0, $0xb8;
	[tilespmem:$0x10600] =	vst v63  }
0xa0: {  	_ =	swait.ge [sflag:s14], $0x2000  }
0xa1: {  	[sflag:s14] =	ssyncset.done $0x0  }
0xa2: {  	s12 =	rddreg [dreg:$0x16];
	[sflag:s14] =	ssyncadd.s32 $0xFFFFE000  }
0xa3: {  	[hbm4b:s12+s3] =	stream.linear.scatter [tilespmem:s6], [sflag:$0xD], $0x2000, $0x38;
	[tilespmem:$0x10600] =	vst v63  }
0xa4: {  	v2 =	vld.msk [tilespmem:$0x38], $0xff;
	_ =	sdelay $0x4  }
0xa5: {  	v3 =	vshll.u32 v2, $0x3  }
0xa6: {  	v2 =	vand.u32 $0x7, v2;
	v3 =	vand.u32 $0xFFFFFFC0, v3  }
0xa7: {  	v2 =	vor.u32 v2, v3  }
0xa8: {  	v2 =	vperm.xlane v2, v0;
	_ =	sdelay $0x1  }
0xa9: {  	v2 =	vadd.s32 v1, v2;
	_ =	sdelay $0x4  }
0xaa: {  	[tilespmem:s25], [sflag:$0x9] =	stream.indirect_vreg.gather [hbm4b:s1+s3], $0x80, v2, vm0, $0xb8;
	[tilespmem:$0x10600] =	vst v63  }
0xab: {  	_ = 	snop  }
0xac: {  	[tilespmem:s20], [sflag:$0x9] =	stream.indirect_vreg.gather [hbm4b:s7+s3], $0x80, v2, vm0, $0xb8;
	[tilespmem:$0x10600] =	vst v63  }
0xad: {  	s16 =	simm.s32 $0xF600  }
0xae: {  	[tilespmem:s16], [sflag:$0x9] =	stream.indirect_vreg.gather [hbm4b:s8+s3], $0x80, v2, vm0, $0xb8;
	[tilespmem:$0x10600] =	vst v63  }
0xaf: {  	s13 =	simm.s32 $0x1;
	s17 =	simm.s32 $0xFE00  }
0xb0: {  	[tilespmem:s17], [sflag:$0x9] =	stream.indirect_vreg.gather [hbm4b:s9+s3], $0x80, v2, vm0, $0xb8;
	[tilespmem:$0x10600] =	vst v63  }
0xb1: {  	_ =	swait.ge [sflag:s13], $0x200  }
0xb2: {  	[sflag:s13] =	ssyncset.done $0x0  }
0xb3: {  	s30 =	simm.s32 $0x400;
	[sflag:s13] =	ssyncadd.s32 $0xFFFFFE00  }
0xb4: {  	s2 =	simm.s32 $0xF;
	s26 =	simm.s32 $0x80;
	_ =	swait.ge [sflag:s13], $0x200  }
0xb5: {  	s11 =	simm.s32 $0x78;
	s25 =	simm.s32 $0x200;
	[sflag:s13] =	ssyncset.done $0x0  }
0xb6: {  	s17 =	simm.s32 $0x3;
	s20 =	rddreg [dreg:$0x17];
	[sflag:s13] =	ssyncadd.s32 $0xFFFFFE00  }
0xb7: {  	[hbm4b:s20+s26] =	stream.strided.scatter [tilespmem:s25], [sflag:$0x1], $0x200, s25, s26, $0x38;
	[tilespmem:$0x10600] =	vst v63  }
0xb8: {  	s28 =	rddreg [dreg:$0x18];
	s13 =	simm.s32 $0x0;
	s20 =	simm.s32 $0x2  }
0xb9: {  	[hbm4b:s28+s26] =	stream.strided.scatter [tilespmem:s30], [sflag:$0x1], $0x200, s25, s26, $0x38;
	[tilespmem:$0x10600] =	vst v63  }
.LBB2_2:
0xba: {  	_ =	swait.ge [sflag:s15], $0x2000  }
0xbb: {  	s25 =	rddreg [dreg:$0x8];
	[sflag:s15] =	ssyncset.done $0x0  }
0xbc: {  	s28 =	simm.s32 $0x8600;
	[sflag:s15] =	ssyncadd.s32 $0xFFFFE000;
	s25 =	sadd.s32 s13, s25  }
0xbd: {  	[hbm4b:s25+s3] =	stream.linear.scatter [tilespmem:s28], [sflag:$0xE], $0x2000, $0x38;
	[tilespmem:$0x10600] =	vst v63  }
0xbe: {  	_ =	swait.ge [sflag:s18], $0x2000  }
0xbf: {  	[sflag:s18] =	ssyncset.done $0x0  }
0xc0: {  	[sflag:s18] =	ssyncadd.s32 $0xFFFFE000  }
0xc1: {  	v2 =	vld.msk [tilespmem:s11+$0xFFFFFFC8], $0xff;
	_ =	sdelay $0x4  }
0xc2: {  	v3 =	vshll.u32 v2, $0x3  }
0xc3: {  	v2 =	vand.u32 $0x7, v2;
	v3 =	vand.u32 $0xFFFFFFC0, v3  }
0xc4: {  	v2 =	vor.u32 v2, v3  }
0xc5: {  	v2 =	vperm.xlane v2, v0;
	_ =	sdelay $0x1  }
0xc6: {  	v2 =	vadd.s32 v1, v2;
	_ =	sdelay $0x3  }
0xc7: {  	s4 =	simm.s32 $0x600  }
0xc8: {  	[tilespmem:s4], [sflag:$0x2] =	stream.indirect_vreg.gather [hbm4b:s1+s3], $0x80, v2, vm0, $0xb8;
	[tilespmem:$0x10600] =	vst v63  }
0xc9: {  	s5 =	simm.s32 $0xE00  }
0xca: {  	[tilespmem:s5], [sflag:$0x2] =	stream.indirect_vreg.gather [hbm4b:s7+s3], $0x80, v2, vm0, $0xb8;
	[tilespmem:$0x10600] =	vst v63  }
0xcb: {  	s10 =	simm.s32 $0x1600  }
0xcc: {  	[tilespmem:s10], [sflag:$0x2] =	stream.indirect_vreg.gather [hbm4b:s8+s3], $0x80, v2, vm0, $0xb8;
	[tilespmem:$0x10600] =	vst v63  }
0xcd: {  	s12 =	simm.s32 $0x1E00  }
0xce: {  	[tilespmem:s12], [sflag:$0x2] =	stream.indirect_vreg.gather [hbm4b:s9+s3], $0x80, v2, vm0, $0xb8;
	[tilespmem:$0x10600] =	vst v63  }
0xcf: {  	_ =	swait.ge [sflag:s24], $0x2000  }
0xd0: {  	s16 =	rddreg [dreg:$0xa];
	[sflag:s24] =	ssyncset.done $0x0  }
0xd1: {  	s30 =	simm.s32 $0xA600;
	[sflag:s24] =	ssyncadd.s32 $0xFFFFE000;
	s25 =	sadd.s32 s13, s16  }
0xd2: {  	[hbm4b:s25+s3] =	stream.linear.scatter [tilespmem:s30], [sflag:$0xF], $0x2000, $0x38;
	[tilespmem:$0x10600] =	vst v63  }
0xd3: {  	_ =	swait.ge [sflag:s19], $0x2000  }
0xd4: {  	[sflag:s19] =	ssyncset.done $0x0  }
0xd5: {  	[sflag:s19] =	ssyncadd.s32 $0xFFFFE000  }
0xd6: {  	v2 =	vld.msk [tilespmem:s11+$0xFFFFFFD0], $0xff;
	_ =	sdelay $0x4  }
0xd7: {  	v3 =	vshll.u32 v2, $0x3  }
0xd8: {  	v2 =	vand.u32 $0x7, v2;
	v3 =	vand.u32 $0xFFFFFFC0, v3  }
0xd9: {  	v2 =	vor.u32 v2, v3  }
0xda: {  	v2 =	vperm.xlane v2, v0;
	_ =	sdelay $0x1  }
0xdb: {  	v2 =	vadd.s32 v1, v2;
	_ =	sdelay $0x3  }
0xdc: {  	s5 =	simm.s32 $0x2600  }
0xdd: {  	[tilespmem:s5], [sflag:$0x3] =	stream.indirect_vreg.gather [hbm4b:s1+s3], $0x80, v2, vm0, $0xb8;
	[tilespmem:$0x10600] =	vst v63  }
0xde: {  	s10 =	simm.s32 $0x2E00  }
0xdf: {  	[tilespmem:s10], [sflag:$0x3] =	stream.indirect_vreg.gather [hbm4b:s7+s3], $0x80, v2, vm0, $0xb8;
	[tilespmem:$0x10600] =	vst v63  }
0xe0: {  	s26 =	simm.s32 $0x3600  }
0xe1: {  	[tilespmem:s26], [sflag:$0x3] =	stream.indirect_vreg.gather [hbm4b:s8+s3], $0x80, v2, vm0, $0xb8;
	[tilespmem:$0x10600] =	vst v63  }
0xe2: {  	s6 =	simm.s32 $0x3E00  }
0xe3: {  	[tilespmem:s6], [sflag:$0x3] =	stream.indirect_vreg.gather [hbm4b:s9+s3], $0x80, v2, vm0, $0xb8;
	[tilespmem:$0x10600] =	vst v63  }
0xe4: {  	_ =	swait.ge [sflag:s23], $0x2000  }
0xe5: {  	s12 =	rddreg [dreg:$0xe];
	[sflag:s23] =	ssyncset.done $0x0  }
0xe6: {  	[sflag:s23] =	ssyncadd.s32 $0xFFFFE000;
	s25 =	sadd.s32 s13, s12;
	s12 =	simm.s32 $0xC600  }
0xe7: {  	[hbm4b:s25+s3] =	stream.linear.scatter [tilespmem:s12], [sflag:$0x10], $0x2000, $0x38;
	[tilespmem:$0x10600] =	vst v63  }
0xe8: {  	_ =	swait.ge [sflag:s21], $0x2000  }
0xe9: {  	[sflag:s21] =	ssyncset.done $0x0  }
0xea: {  	[sflag:s21] =	ssyncadd.s32 $0xFFFFE000  }
0xeb: {  	v2 =	vld.msk [tilespmem:s11+$0xFFFFFFD8], $0xff;
	_ =	sdelay $0x4  }
0xec: {  	v3 =	vshll.u32 v2, $0x3  }
0xed: {  	v2 =	vand.u32 $0x7, v2;
	v3 =	vand.u32 $0xFFFFFFC0, v3  }
0xee: {  	v2 =	vor.u32 v2, v3  }
0xef: {  	v2 =	vperm.xlane v2, v0;
	_ =	sdelay $0x1  }
0xf0: {  	v2 =	vadd.s32 v1, v2;
	_ =	sdelay $0x3  }
0xf1: {  	s26 =	simm.s32 $0x4600  }
0xf2: {  	[tilespmem:s26], [sflag:$0x4] =	stream.indirect_vreg.gather [hbm4b:s1+s3], $0x80, v2, vm0, $0xb8;
	[tilespmem:$0x10600] =	vst v63  }
0xf3: {  	s16 =	simm.s32 $0x4E00  }
0xf4: {  	[tilespmem:s16], [sflag:$0x4] =	stream.indirect_vreg.gather [hbm4b:s7+s3], $0x80, v2, vm0, $0xb8;
	[tilespmem:$0x10600] =	vst v63  }
0xf5: {  	s25 =	simm.s32 $0x5600  }
0xf6: {  	[tilespmem:s25], [sflag:$0x4] =	stream.indirect_vreg.gather [hbm4b:s8+s3], $0x80, v2, vm0, $0xb8;
	[tilespmem:$0x10600] =	vst v63  }
0xf7: {  	s6 =	simm.s32 $0x5E00  }
0xf8: {  	[tilespmem:s6], [sflag:$0x4] =	stream.indirect_vreg.gather [hbm4b:s9+s3], $0x80, v2, vm0, $0xb8;
	[tilespmem:$0x10600] =	vst v63  }
0xf9: {  	_ =	swait.ge [sflag:s22], $0x2000  }
0xfa: {  	s16 =	rddreg [dreg:$0xd];
	[sflag:s22] =	ssyncset.done $0x0  }
0xfb: {  	[sflag:s22] =	ssyncadd.s32 $0xFFFFE000;
	s25 =	sadd.s32 s13, s16;
	s16 =	simm.s32 $0xE600  }
0xfc: {  	[hbm4b:s25+s3] =	stream.linear.scatter [tilespmem:s16], [sflag:$0x11], $0x2000, $0x38;
	[tilespmem:$0x10600] =	vst v63  }
0xfd: {  	_ =	swait.ge [sflag:s29], $0x2000  }
0xfe: {  	[sflag:s29] =	ssyncset.done $0x0  }
0xff: {  	[sflag:s29] =	ssyncadd.s32 $0xFFFFE000  }
0x100: {  	v2 =	vld.msk [tilespmem:s11+$0xFFFFFFE0], $0xff;
	_ =	sdelay $0x4  }
0x101: {  	v3 =	vshll.u32 v2, $0x3  }
0x102: {  	v2 =	vand.u32 $0x7, v2;
	v3 =	vand.u32 $0xFFFFFFC0, v3  }
0x103: {  	v2 =	vor.u32 v2, v3  }
0x104: {  	v2 =	vperm.xlane v2, v0;
	_ =	sdelay $0x1  }
0x105: {  	v2 =	vadd.s32 v1, v2;
	_ =	sdelay $0x3  }
0x106: {  	s6 =	simm.s32 $0x6600  }
0x107: {  	[tilespmem:s6], [sflag:$0x5] =	stream.indirect_vreg.gather [hbm4b:s1+s3], $0x80, v2, vm0, $0xb8;
	[tilespmem:$0x10600] =	vst v63  }
0x108: {  	s25 =	simm.s32 $0x6E00  }
0x109: {  	[tilespmem:s25], [sflag:$0x5] =	stream.indirect_vreg.gather [hbm4b:s7+s3], $0x80, v2, vm0, $0xb8;
	[tilespmem:$0x10600] =	vst v63  }
0x10a: {  	s25 =	simm.s32 $0x7600  }
0x10b: {  	[tilespmem:s25], [sflag:$0x5] =	stream.indirect_vreg.gather [hbm4b:s8+s3], $0x80, v2, vm0, $0xb8;
	[tilespmem:$0x10600] =	vst v63  }
0x10c: {  	s25 =	simm.s32 $0x7E00  }
0x10d: {  	[tilespmem:s25], [sflag:$0x5] =	stream.indirect_vreg.gather [hbm4b:s9+s3], $0x80, v2, vm0, $0xb8;
	[tilespmem:$0x10600] =	vst v63  }
0x10e: {  	_ =	swait.ge [sflag:s20], $0x2000  }
0x10f: {  	s10 =	rddreg [dreg:$0x9];
	[sflag:s20] =	ssyncset.done $0x0  }
0x110: {  	[sflag:s20] =	ssyncadd.s32 $0xFFFFE000;
	s25 =	sadd.s32 s13, s10  }
0x111: {  	[hbm4b:s25+s3] =	stream.linear.scatter [tilespmem:s4], [sflag:$0xA], $0x2000, $0x38;
	[tilespmem:$0x10600] =	vst v63  }
0x112: {  	_ =	swait.ge [sflag:s31], $0x2000  }
0x113: {  	[sflag:s31] =	ssyncset.done $0x0  }
0x114: {  	[sflag:s31] =	ssyncadd.s32 $0xFFFFE000  }
0x115: {  	v2 =	vld.msk [tilespmem:s11+$0xFFFFFFE8], $0xff;
	_ =	sdelay $0x4  }
0x116: {  	v3 =	vshll.u32 v2, $0x3  }
0x117: {  	v2 =	vand.u32 $0x7, v2;
	v3 =	vand.u32 $0xFFFFFFC0, v3  }
0x118: {  	v2 =	vor.u32 v2, v3  }
0x119: {  	v2 =	vperm.xlane v2, v0;
	_ =	sdelay $0x1  }
0x11a: {  	v2 =	vadd.s32 v1, v2;
	_ =	sdelay $0x4  }
0x11b: {  	[tilespmem:s28], [sflag:$0x6] =	stream.indirect_vreg.gather [hbm4b:s1+s3], $0x80, v2, vm0, $0xb8;
	[tilespmem:$0x10600] =	vst v63  }
0x11c: {  	s28 =	simm.s32 $0x8E00  }
0x11d: {  	[tilespmem:s28], [sflag:$0x6] =	stream.indirect_vreg.gather [hbm4b:s7+s3], $0x80, v2, vm0, $0xb8;
	[tilespmem:$0x10600] =	vst v63  }
0x11e: {  	s25 =	simm.s32 $0x9600  }
0x11f: {  	[tilespmem:s25], [sflag:$0x6] =	stream.indirect_vreg.gather [hbm4b:s8+s3], $0x80, v2, vm0, $0xb8;
	[tilespmem:$0x10600] =	vst v63  }
0x120: {  	s25 =	simm.s32 $0x9E00  }
0x121: {  	[tilespmem:s25], [sflag:$0x6] =	stream.indirect_vreg.gather [hbm4b:s9+s3], $0x80, v2, vm0, $0xb8;
	[tilespmem:$0x10600] =	vst v63  }
0x122: {  	_ =	swait.ge [sflag:s17], $0x2000  }
0x123: {  	s4 =	rddreg [dreg:$0xb];
	[sflag:s17] =	ssyncset.done $0x0  }
0x124: {  	[sflag:s17] =	ssyncadd.s32 $0xFFFFE000;
	s25 =	sadd.s32 s13, s4  }
0x125: {  	[hbm4b:s25+s3] =	stream.linear.scatter [tilespmem:s5], [sflag:$0xB], $0x2000, $0x38;
	[tilespmem:$0x10600] =	vst v63  }
0x126: {  	_ =	swait.ge [sflag:s2], $0x2000  }
0x127: {  	[sflag:s2] =	ssyncset.done $0x0  }
0x128: {  	[sflag:s2] =	ssyncadd.s32 $0xFFFFE000  }
0x129: {  	v2 =	vld.msk [tilespmem:s11+$0xFFFFFFF0], $0xff;
	_ =	sdelay $0x4  }
0x12a: {  	v3 =	vshll.u32 v2, $0x3  }
0x12b: {  	v2 =	vand.u32 $0x7, v2;
	v3 =	vand.u32 $0xFFFFFFC0, v3  }
0x12c: {  	v2 =	vor.u32 v2, v3  }
0x12d: {  	v2 =	vperm.xlane v2, v0;
	_ =	sdelay $0x1  }
0x12e: {  	v2 =	vadd.s32 v1, v2;
	_ =	sdelay $0x4  }
0x12f: {  	[tilespmem:s30], [sflag:$0x7] =	stream.indirect_vreg.gather [hbm4b:s1+s3], $0x80, v2, vm0, $0xb8;
	[tilespmem:$0x10600] =	vst v63  }
0x130: {  	s30 =	simm.s32 $0xAE00  }
0x131: {  	[tilespmem:s30], [sflag:$0x7] =	stream.indirect_vreg.gather [hbm4b:s7+s3], $0x80, v2, vm0, $0xb8;
	[tilespmem:$0x10600] =	vst v63  }
0x132: {  	s25 =	simm.s32 $0xB600  }
0x133: {  	[tilespmem:s25], [sflag:$0x7] =	stream.indirect_vreg.gather [hbm4b:s8+s3], $0x80, v2, vm0, $0xb8;
	[tilespmem:$0x10600] =	vst v63  }
0x134: {  	s25 =	simm.s32 $0xBE00  }
0x135: {  	[tilespmem:s25], [sflag:$0x7] =	stream.indirect_vreg.gather [hbm4b:s9+s3], $0x80, v2, vm0, $0xb8;
	[tilespmem:$0x10600] =	vst v63  }
0x136: {  	_ =	swait.ge [sflag:s0], $0x2000  }
0x137: {  	s4 =	rddreg [dreg:$0xf];
	[sflag:s0] =	ssyncset.done $0x0  }
0x138: {  	[sflag:s0] =	ssyncadd.s32 $0xFFFFE000;
	s25 =	sadd.s32 s13, s4  }
0x139: {  	[hbm4b:s25+s3] =	stream.linear.scatter [tilespmem:s26], [sflag:$0xC], $0x2000, $0x38;
	[tilespmem:$0x10600] =	vst v63  }
0x13a: {  	s25 =	simm.s32 $0x10  }
0x13b: {  	_ =	swait.ge [sflag:s25], $0x2000  }
0x13c: {  	[sflag:s25] =	ssyncset.done $0x0  }
0x13d: {  	[sflag:s25] =	ssyncadd.s32 $0xFFFFE000  }
0x13e: {  	v2 =	vld.msk [tilespmem:s11+$0xFFFFFFF8], $0xff;
	_ =	sdelay $0x4  }
0x13f: {  	v3 =	vshll.u32 v2, $0x3  }
0x140: {  	v2 =	vand.u32 $0x7, v2;
	v3 =	vand.u32 $0xFFFFFFC0, v3  }
0x141: {  	v2 =	vor.u32 v2, v3  }
0x142: {  	v2 =	vperm.xlane v2, v0;
	_ =	sdelay $0x1  }
0x143: {  	v2 =	vadd.s32 v1, v2;
	_ =	sdelay $0x4  }
0x144: {  	[tilespmem:s12], [sflag:$0x8] =	stream.indirect_vreg.gather [hbm4b:s1+s3], $0x80, v2, vm0, $0xb8;
	[tilespmem:$0x10600] =	vst v63  }
0x145: {  	s12 =	simm.s32 $0xCE00  }
0x146: {  	[tilespmem:s12], [sflag:$0x8] =	stream.indirect_vreg.gather [hbm4b:s7+s3], $0x80, v2, vm0, $0xb8;
	[tilespmem:$0x10600] =	vst v63  }
0x147: {  	s26 =	simm.s32 $0xD600  }
0x148: {  	[tilespmem:s26], [sflag:$0x8] =	stream.indirect_vreg.gather [hbm4b:s8+s3], $0x80, v2, vm0, $0xb8;
	[tilespmem:$0x10600] =	vst v63  }
0x149: {  	s26 =	simm.s32 $0xDE00  }
0x14a: {  	[tilespmem:s26], [sflag:$0x8] =	stream.indirect_vreg.gather [hbm4b:s9+s3], $0x80, v2, vm0, $0xb8;
	[tilespmem:$0x10600] =	vst v63  }
0x14b: {  	_ =	swait.ge [sflag:s14], $0x2000  }
0x14c: {  	s26 =	rddreg [dreg:$0xc];
	[sflag:s14] =	ssyncset.done $0x0  }
0x14d: {  	[sflag:s14] =	ssyncadd.s32 $0xFFFFE000;
	s25 =	sadd.s32 s13, s26  }
0x14e: {  	[hbm4b:s25+s3] =	stream.linear.scatter [tilespmem:s6], [sflag:$0xD], $0x2000, $0x38;
	[tilespmem:$0x10600] =	vst v63  }
0x14f: {  	s6 =	simm.s32 $0x11  }
0x150: {  	_ =	swait.ge [sflag:s6], $0x2000  }
0x151: {  	[sflag:s6] =	ssyncset.done $0x0  }
0x152: {  	[sflag:s6] =	ssyncadd.s32 $0xFFFFE000  }
0x153: {  	v2 =	vld.msk [tilespmem:s11+$0x0], $0xff;
	_ =	sdelay $0x4  }
0x154: {  	v3 =	vshll.u32 v2, $0x3  }
0x155: {  	v2 =	vand.u32 $0x7, v2;
	v3 =	vand.u32 $0xFFFFFFC0, v3  }
0x156: {  	v2 =	vor.u32 v2, v3  }
0x157: {  	v2 =	vperm.xlane v2, v0;
	_ =	sdelay $0x1  }
0x158: {  	v2 =	vadd.s32 v1, v2;
	_ =	sdelay $0x4  }
0x159: {  	[tilespmem:s16], [sflag:$0x9] =	stream.indirect_vreg.gather [hbm4b:s1+s3], $0x80, v2, vm0, $0xb8;
	[tilespmem:$0x10600] =	vst v63  }
0x15a: {  	p0 =	sne.s32 s13, $0xC000;
	s26 =	simm.s32 $0xEE00  }
0x15b: {  	[tilespmem:s26], [sflag:$0x9] =	stream.indirect_vreg.gather [hbm4b:s7+s3], $0x80, v2, vm0, $0xb8;
	[tilespmem:$0x10600] =	vst v63  }
.Ltmp0:
0x15c: {  	s10 =	simm.s32 $0x8600;
	s5 =	simm.s32 $0xA600;
	(pc) =	sbr.rel @p0 .LBB2_2-.Ltmp0, $4  }
0x15d: {  	s4 =	simm.s32 $0xC600;
	s13 =	sadd.s32 $0x2000, s13;
	s16 =	simm.s32 $0xF600  }
0x15e: {  	[tilespmem:s16], [sflag:$0x9] =	stream.indirect_vreg.gather [hbm4b:s8+s3], $0x80, v2, vm0, $0xb8;
	[tilespmem:$0x10600] =	vst v63  }
0x15f: {  	s25 =	simm.s32 $0xE600;
	s11 =	sadd.s32 $0x40, s11;
	s26 =	simm.s32 $0xFE00  }
0x160: {  	[tilespmem:s26], [sflag:$0x9] =	stream.indirect_vreg.gather [hbm4b:s9+s3], $0x80, v2, vm0, $0xb8;
	[tilespmem:$0x10600] =	vst v63  }
0x161: {  	_ =	swait.ge [sflag:s15], $0x2000  }
0x162: {  	[sflag:s15] =	ssyncset.done $0x0  }
0x163: {  	s11 =	rddreg [dreg:$0x19];
	[sflag:s15] =	ssyncadd.s32 $0xFFFFE000  }
0x164: {  	[hbm4b:s11+s3] =	stream.linear.scatter [tilespmem:s10], [sflag:$0xE], $0x2000, $0x38;
	[tilespmem:$0x10600] =	vst v63  }
0x165: {  	_ =	swait.ge [sflag:s24], $0x2000  }
0x166: {  	[sflag:s24] =	ssyncset.done $0x0  }
0x167: {  	s14 =	rddreg [dreg:$0x1a];
	[sflag:s24] =	ssyncadd.s32 $0xFFFFE000  }
0x168: {  	[hbm4b:s14+s3] =	stream.linear.scatter [tilespmem:s5], [sflag:$0xF], $0x2000, $0x38;
	[tilespmem:$0x10600] =	vst v63  }
0x169: {  	_ =	swait.ge [sflag:s23], $0x2000  }
0x16a: {  	[sflag:s23] =	ssyncset.done $0x0  }
0x16b: {  	s16 =	rddreg [dreg:$0x1b];
	[sflag:s23] =	ssyncadd.s32 $0xFFFFE000  }
0x16c: {  	[hbm4b:s16+s3] =	stream.linear.scatter [tilespmem:s4], [sflag:$0x10], $0x2000, $0x38;
	[tilespmem:$0x10600] =	vst v63  }
0x16d: {  	_ =	swait.ge [sflag:s22], $0x2000  }
0x16e: {  	[sflag:s22] =	ssyncset.done $0x0  }
0x16f: {  	s17 =	rddreg [dreg:$0x1c];
	[sflag:s22] =	ssyncadd.s32 $0xFFFFE000  }
0x170: {  	[hbm4b:s17+s3] =	stream.linear.scatter [tilespmem:s25], [sflag:$0x11], $0x2000, $0x38;
	[tilespmem:$0x10600] =	vst v63  }
0x171: {  	_ =	swait.ge [sflag:s18], $0x2000  }
0x172: {  	[sflag:s18] =	ssyncset.done $0x0  }
0x173: {  	[sflag:s18] =	ssyncadd.s32 $0xFFFFE000  }
0x174: {  	_ =	swait.ge [sflag:s19], $0x2000  }
0x175: {  	[sflag:s19] =	ssyncset.done $0x0  }
0x176: {  	[sflag:s19] =	ssyncadd.s32 $0xFFFFE000  }
0x177: {  	_ =	swait.ge [sflag:s21], $0x2000  }
0x178: {  	[sflag:s21] =	ssyncset.done $0x0  }
0x179: {  	[sflag:s21] =	ssyncadd.s32 $0xFFFFE000  }
0x17a: {  	_ =	swait.ge [sflag:s29], $0x2000  }
0x17b: {  	[sflag:s29] =	ssyncset.done $0x0  }
0x17c: {  	[sflag:s29] =	ssyncadd.s32 $0xFFFFE000  }
0x17d: {  	_ =	swait.ge [sflag:s31], $0x2000  }
0x17e: {  	[sflag:s31] =	ssyncset.done $0x0  }
0x17f: {  	[sflag:s31] =	ssyncadd.s32 $0xFFFFE000  }
0x180: {  	_ =	swait.ge [sflag:s2], $0x2000  }
0x181: {  	[sflag:s2] =	ssyncset.done $0x0  }
0x182: {  	s0 =	simm.s32 $0x10;
	[sflag:s2] =	ssyncadd.s32 $0xFFFFE000  }
0x183: {  	_ =	swait.ge [sflag:s0], $0x2000  }
0x184: {  	[sflag:s0] =	ssyncset.done $0x0  }
0x185: {  	s20 =	simm.s32 $0x11;
	[sflag:s0] =	ssyncadd.s32 $0xFFFFE000  }
0x186: {  	_ =	swait.ge [sflag:s20], $0x2000  }
0x187: {  	[sflag:s20] =	ssyncset.done $0x0  }
0x188: {  	s13 =	simm.s32 $0x1;
	[sflag:s20] =	ssyncadd.s32 $0xFFFFE000  }
0x189: {  	_ =	swait.ge [sflag:s13], $0x200  }
0x18a: {  	[sflag:s13] =	ssyncset.done $0x0  }
0x18b: {  	[sflag:s13] =	ssyncadd.s32 $0xFFFFFE00  }
0x18c: {  	_ =	swait.ge [sflag:s13], $0x200  }
0x18d: {  	s16 =	rddreg [dreg:$0x1e]  }
0x18e: {  	s26 =	rddreg [dreg:$0x1d];
	s16 =	sadd.s32 $0x1, s16  }
0x18f: {  	p0 =	sne.s32 s16, s26  }
.Ltmp1:
0x190: {  	_ = 	snop;
	(pc) =	sbr.rel @p0 .LBB2_1-.Ltmp1, $3  }
0x191: {  	_ =	sdelay $0x1  }
0x192: {  	s17 =	simm.s32 $0x3;
	s20 =	simm.s32 $0xEE00;
	[sflag:s13] =	ssyncset.done $0x0  }
0x193: {  	[sflag:s13] =	ssyncadd.s32 $0xFFFFFE00;
	[dreg:$0x1e] =	wrdreg s16;
	s16 =	simm.s32 $0x2  }
0x194: {  	_ =	sfence.sel $0x180000  }
0x195: {  	[bflag:$0x0] =	sbarrier.arrive $0xFFFF  }
0x196: {  	_ =	strace $0x90000047  }
0x197: {  	s0 =	stileid.u32;
	[bflag:$0x2] =	sbarrier.arrive $0xFFFF  }
0x198: {  	p0 =	sne.s32 s0, $0x0;
	s0 =	rddreg [dreg:$0x7]  }
0x199: {  	s0 =	sadd.s32 @!p0 $0x100000, s0  }
0x19a: {  	[sflag:s0] =	ssyncadd.tile.s32 @!p0 $0x1;
	_ =	shalt  }
.Lfunc_end2:
_tile_overlayer_lowered:
.L_overlay_start_2:
0x19b: {  	(tag) =	ssettag $0x2  }
0x19c: {  	s0 =	rddreg [dreg:$0x0];
	s2 =	stileid.u32  }
0x19d: {  	s1 =	rddreg [dreg:$0x1];
	p0 =	sne.s32 s2, $0x0  }
0x19e: {  	s3 =	rddreg [dreg:$0x2];
	[bflag:$0x3] =	sbarrier.arrive $0xFFFF;
	s2 =	simm.s32 @!p0 $0x1C12  }
0x19f: {  	[timem:s3], [sflag:s2] =	dma.local @!p0 [hbm:s0], s1  }
0x1a0: {  	s0 =	simm.s32 @!p0 $0x12  }
0x1a1: {  	_ =	swait.ge @!p0 [sflag:s0], s1  }
0x1a2: {  	s1 =	ssub.s32 @!p0 $0x0, s1;
	[sflag:s0] =	ssyncset.done @!p0 $0x0  }
0x1a3: {  	[sflag:s0] =	ssyncadd.s32 @!p0 s1  }
0x1a4: {  	[bflag:$0x3] =	sbarrier.arrive $0xFFFF  }
0x1a5: {  	_ =	shalt  }

</sc_bundles>
